<compile_context>
chip_gen: v7x
topology: tpu7x:2x2x1
jax: 0.10.2.dev20260603
libtpu: 0.0.44.dev20260713+nightly
codegen_flags: <defaults>
</compile_context>

<pallas_src>
import functools

import jax
import jax.numpy as jnp
from jax import lax
from jax.experimental import pallas as pl
from jax.experimental.pallas import tpu as pltpu
from jax.experimental.pallas import tpu_sc as plsc

_VOCAB = 100000
_DIM = 64
_BATCH = 16384
_NC = 2
_NS = 16
_L = 16
_NW = _NC * _NS
_BPW = _BATCH // _NW
_GROUPS = _BPW // _L


def _sc_body(s_hbm, d_hbm, head_hbm, tail_hbm, out_hbm,
             s_v, d_v, hrows_v, trows_v, out_v, sem_h, sem_t):
    wid = lax.axis_index("s") * _NC + lax.axis_index("c")
    base = wid * _BPW
    pltpu.sync_copy(s_hbm.at[pl.ds(base, _BPW)], s_v)
    pltpu.sync_copy(d_hbm.at[pl.ds(base, _BPW)], d_v)
    ch = pltpu.async_copy(head_hbm.at[s_v], hrows_v, sem_h)
    ct = pltpu.async_copy(tail_hbm.at[d_v], trows_v, sem_t)
    ch.wait()
    ct.wait()

    lid = lax.iota(jnp.int32, _L)

    def group_step(g, carry):
        pbase = g * _L
        res = jnp.zeros((_L,), jnp.float32)
        for p in range(_L):
            row = pbase + p
            prod = (hrows_v[row, pl.ds(0, _L)] * trows_v[row, pl.ds(0, _L)]
                    + hrows_v[row, pl.ds(_L, _L)] * trows_v[row, pl.ds(_L, _L)]
                    + hrows_v[row, pl.ds(2 * _L, _L)] * trows_v[row, pl.ds(2 * _L, _L)]
                    + hrows_v[row, pl.ds(3 * _L, _L)] * trows_v[row, pl.ds(3 * _L, _L)])
            res = jnp.where(lid == p, jnp.sum(prod), res)
        out_v[pl.ds(pbase, _L)] = 1.0 / (1.0 + jnp.exp(res))
        return carry

    lax.fori_loop(0, _GROUPS, group_step, 0)
    pltpu.sync_copy(out_v, out_hbm.at[pl.ds(base, _BPW)])


_sc_kernel = functools.partial(
    pl.kernel,
    out_type=jax.ShapeDtypeStruct((_BATCH,), jnp.float32),
    mesh=plsc.VectorSubcoreMesh(core_axis_name="c", subcore_axis_name="s",
                                num_cores=_NC, num_subcores=_NS),
    compiler_params=pltpu.CompilerParams(needs_layout_passes=False,
                                         use_tc_tiling_on_sc=False),
    scratch_types=[
        pltpu.VMEM((_BPW,), jnp.int32),
        pltpu.VMEM((_BPW,), jnp.int32),
        pltpu.VMEM((_BPW, _DIM), jnp.float32),
        pltpu.VMEM((_BPW, _DIM), jnp.float32),
        pltpu.VMEM((_BPW,), jnp.float32),
        pltpu.SemaphoreType.DMA,
        pltpu.SemaphoreType.DMA,
    ],
)(_sc_body)


def kernel(x, emb_head, emb_tail):
    s = x[:, 0]
    d = x[:, 1]
    return _sc_kernel(s, d, emb_head, emb_tail)

# --- scband reference (transcript-rebuilt; emitter-appended) ---
"""Pipeline reference for scband-cosine-similarity-35699768164405 (READ-ONLY COPY).

The authoritative reference and input builder live on the scoring server;
editing this copy changes nothing except your own understanding.
"""

import jax, jax.numpy as jnp
import numpy as np

VOCAB = 100000
EMBED_DIM = 64
BATCH = 16384

def setup_inputs(seed: int = 0) -> dict:
    key = jax.random.key(seed)
    k1, k2, k3 = jax.random.split(key, 3)
    x = jax.random.randint(k1, (BATCH, 2), 0, VOCAB, dtype=jnp.int64 if jax.config.jax_enable_x64 else jnp.int32).astype(jnp.int32)
    emb_head = jax.random.normal(k2, (VOCAB, EMBED_DIM), dtype=jnp.float32)
    emb_tail = jax.random.normal(k3, (VOCAB, EMBED_DIM), dtype=jnp.float32)
    return {"x": x, "emb_head": emb_head, "emb_tail": emb_tail}

def reference(x, emb_head, emb_tail):
    s = x[:, 0]
    d = x[:, 1]
    srcs = jnp.take(emb_head, s, axis=0)
    dsts = jnp.take(emb_tail, d, axis=0)
    logits = jnp.sum(srcs * dsts, axis=1)
    return 1.0 - jax.nn.sigmoid(logits)

if __name__ == "__main__":
    import jax
    _d = setup_inputs()
    print(jax.jit(kernel)(*tuple(_d.values())))

</pallas_src>

<mosaic_0001>
#map = affine_map<(d0, d1) -> (0)>
#map1 = affine_map<(d0, d1) -> (0, 0)>
module attributes {stable_mosaic.version = 14 : i64} {
  func.func @_sc_body(%arg0: i32, %arg1: i32, %arg2: memref<16384xi32, #tpu.memory_space<hbm>>, %arg3: memref<16384xi32, #tpu.memory_space<hbm>>, %arg4: memref<100000x64xf32, #tpu.memory_space<hbm>>, %arg5: memref<100000x64xf32, #tpu.memory_space<hbm>>, %arg6: memref<16384xf32, #tpu.memory_space<hbm>>, %arg7: memref<512xi32, #tpu.memory_space<vmem>>, %arg8: memref<512xi32, #tpu.memory_space<vmem>>, %arg9: memref<512x64xf32, #tpu.memory_space<vmem>>, %arg10: memref<512x64xf32, #tpu.memory_space<vmem>>, %arg11: memref<512xf32, #tpu.memory_space<vmem>>, %arg12: memref<!tpu.dma_semaphore, #tpu.memory_space<semaphore_mem>>, %arg13: memref<!tpu.dma_semaphore, #tpu.memory_space<semaphore_mem>>) attributes {dimension_semantics = [#tpu.dimension_semantics<core_parallel>, #tpu.dimension_semantics<subcore_parallel>], iteration_bounds = array<i64: 2, 16>, scalar_prefetch = 0 : i64, scratch_operands = 7 : i64, tpu.core_type = #tpu.core_type<sc_vector_subcore>, window_params = [{transform_indices = #map}, {transform_indices = #map}, {transform_indices = #map1}, {transform_indices = #map1}, {transform_indices = #map}]} {
    %mul3A = arith.constant 2 : i32
    %mul3A_0 = arith.muli %arg1, %mul3A : i32
    %add3A = arith.addi %mul3A_0, %arg0 : i32
    %mul3A_1 = arith.constant 512 : i32
    %mul3A_2 = arith.muli %add3A, %mul3A_1 : i32
    "tpu.region"() ({
      %run_scoped3A = tpu.sem_alloc : memref<!tpu.dma_semaphore, #tpu.memory_space<semaphore_mem>>
      %dma_start3A_18 = tpu.memref_slice %arg2[%mul3A_2] : memref<16384xi32, #tpu.memory_space<hbm>> -> memref<512xi32, #tpu.memory_space<hbm>>
      %dma_start3A_19 = tpu.memref_slice %arg2[%mul3A_2] : memref<16384xi32, #tpu.memory_space<hbm>> -> memref<512xi32, #tpu.memory_space<hbm>>
      tpu.enqueue_dma source(%dma_start3A_19 : memref<512xi32, #tpu.memory_space<hbm>>) target(%arg7 : memref<512xi32, #tpu.memory_space<vmem>>) target_semaphore(%run_scoped3A : memref<!tpu.dma_semaphore, #tpu.memory_space<semaphore_mem>>)
      %dma_wait3A_20 = tpu.memref_slice %arg2[%mul3A_2] : memref<16384xi32, #tpu.memory_space<hbm>> -> memref<512xi32, #tpu.memory_space<hbm>>
      %dma_wait3A_21 = tpu.memref_slice %arg2[%mul3A_2] : memref<16384xi32, #tpu.memory_space<hbm>> -> memref<512xi32, #tpu.memory_space<hbm>>
      tpu.wait_dma2 semaphore(%run_scoped3A : memref<!tpu.dma_semaphore, #tpu.memory_space<semaphore_mem>>) src(%dma_wait3A_21 : memref<512xi32, #tpu.memory_space<hbm>>) dst(%arg7 : memref<512xi32, #tpu.memory_space<vmem>>)
      tpu.yield
    }) : () -> ()
    "tpu.region"() ({
      %run_scoped3A = tpu.sem_alloc : memref<!tpu.dma_semaphore, #tpu.memory_space<semaphore_mem>>
      %dma_start3A_18 = tpu.memref_slice %arg3[%mul3A_2] : memref<16384xi32, #tpu.memory_space<hbm>> -> memref<512xi32, #tpu.memory_space<hbm>>
      %dma_start3A_19 = tpu.memref_slice %arg3[%mul3A_2] : memref<16384xi32, #tpu.memory_space<hbm>> -> memref<512xi32, #tpu.memory_space<hbm>>
      tpu.enqueue_dma source(%dma_start3A_19 : memref<512xi32, #tpu.memory_space<hbm>>) target(%arg8 : memref<512xi32, #tpu.memory_space<vmem>>) target_semaphore(%run_scoped3A : memref<!tpu.dma_semaphore, #tpu.memory_space<semaphore_mem>>)
      %dma_wait3A_20 = tpu.memref_slice %arg3[%mul3A_2] : memref<16384xi32, #tpu.memory_space<hbm>> -> memref<512xi32, #tpu.memory_space<hbm>>
      %dma_wait3A_21 = tpu.memref_slice %arg3[%mul3A_2] : memref<16384xi32, #tpu.memory_space<hbm>> -> memref<512xi32, #tpu.memory_space<hbm>>
      tpu.wait_dma2 semaphore(%run_scoped3A : memref<!tpu.dma_semaphore, #tpu.memory_space<semaphore_mem>>) src(%dma_wait3A_21 : memref<512xi32, #tpu.memory_space<hbm>>) dst(%arg8 : memref<512xi32, #tpu.memory_space<vmem>>)
      tpu.yield
    }) : () -> ()
    %dma_start3A = arith.constant 0 : i32
    %dma_start3A_3 = arith.constant 0 : i32
    %dma_start3A_4 = tpu.memref_slice %arg4[%dma_start3A, %dma_start3A_3] : memref<100000x64xf32, #tpu.memory_space<hbm>> -> memref<100000x64xf32, #tpu.memory_space<hbm>>
    tpu.enqueue_indirect_dma source(%dma_start3A_4 : memref<100000x64xf32, #tpu.memory_space<hbm>>) target(%arg9 : memref<512x64xf32, #tpu.memory_space<vmem>>) offsets(%arg7 : memref<512xi32, #tpu.memory_space<vmem>>) semaphore(%arg12 : memref<!tpu.dma_semaphore, #tpu.memory_space<semaphore_mem>>)
    %dma_start3A_5 = arith.constant 0 : i32
    %dma_start3A_6 = arith.constant 0 : i32
    %dma_start3A_7 = tpu.memref_slice %arg5[%dma_start3A_5, %dma_start3A_6] : memref<100000x64xf32, #tpu.memory_space<hbm>> -> memref<100000x64xf32, #tpu.memory_space<hbm>>
    tpu.enqueue_indirect_dma source(%dma_start3A_7 : memref<100000x64xf32, #tpu.memory_space<hbm>>) target(%arg10 : memref<512x64xf32, #tpu.memory_space<vmem>>) offsets(%arg8 : memref<512xi32, #tpu.memory_space<vmem>>) semaphore(%arg13 : memref<!tpu.dma_semaphore, #tpu.memory_space<semaphore_mem>>)
    %dma_wait3A = arith.constant 0 : i32
    %dma_wait3A_8 = arith.constant 0 : i32
    %dma_wait3A_9 = tpu.memref_slice %arg4[%dma_wait3A, %dma_wait3A_8] : memref<100000x64xf32, #tpu.memory_space<hbm>> -> memref<100000x64xf32, #tpu.memory_space<hbm>>
    tpu.wait_indirect_dma semaphore(%arg12 : memref<!tpu.dma_semaphore, #tpu.memory_space<semaphore_mem>>) src(%dma_wait3A_9 : memref<100000x64xf32, #tpu.memory_space<hbm>>) dst(%arg9 : memref<512x64xf32, #tpu.memory_space<vmem>>)
    %dma_wait3A_10 = arith.constant 0 : i32
    %dma_wait3A_11 = arith.constant 0 : i32
    %dma_wait3A_12 = tpu.memref_slice %arg5[%dma_wait3A_10, %dma_wait3A_11] : memref<100000x64xf32, #tpu.memory_space<hbm>> -> memref<100000x64xf32, #tpu.memory_space<hbm>>
    tpu.wait_indirect_dma semaphore(%arg13 : memref<!tpu.dma_semaphore, #tpu.memory_space<semaphore_mem>>) src(%dma_wait3A_12 : memref<100000x64xf32, #tpu.memory_space<hbm>>) dst(%arg10 : memref<512x64xf32, #tpu.memory_space<vmem>>)
    %iota3A = tpu.iota {dimensions = array<i32: 0>} : vector<16xi32>
    %scan3A = arith.constant 0 : i32
    %scan3A_13 = arith.constant 0 : i32
    %scan3A_14 = arith.constant 32 : i32
    %scan3A_15 = arith.addi %scan3A_13, %scan3A_14 : i32
    %scan3A_16 = arith.constant 1 : i32
    scf.for %scan3A_18 = %scan3A_13 to %scan3A_15 step %scan3A_16  : i32 {
      %mul3A_19 = arith.constant 16 : i32
      %mul3A_20 = arith.muli %scan3A_18, %mul3A_19 : i32
      %broadcast_in_dim3A = arith.constant 0.000000e+00 : f32
      %broadcast_in_dim3A_21 = vector.broadcast %broadcast_in_dim3A : f32 to vector<16xf32>
      %add3A_22 = arith.constant 0 : i32
      %add3A_23 = arith.addi %mul3A_20, %add3A_22 : i32
      %get3A = arith.index_cast %add3A_23 : i32 to index
      %get3A_24 = arith.constant 0 : index
      %get3A_25 = tpu.vector_load %arg9[%get3A, %get3A_24] {strides = array<i32>} : memref<512x64xf32, #tpu.memory_space<vmem>>, vector<16xf32>,
      %get3A_26 = arith.index_cast %add3A_23 : i32 to index
      %get3A_27 = arith.constant 0 : index
      %get3A_28 = tpu.vector_load %arg10[%get3A_26, %get3A_27] {strides = array<i32>} : memref<512x64xf32, #tpu.memory_space<vmem>>, vector<16xf32>,
      %mul3A_29 = arith.mulf %get3A_25, %get3A_28 : vector<16xf32>
      %get3A_30 = arith.index_cast %add3A_23 : i32 to index
      %get3A_31 = arith.constant 16 : index
      %get3A_32 = tpu.vector_load %arg9[%get3A_30, %get3A_31] {strides = array<i32>} : memref<512x64xf32, #tpu.memory_space<vmem>>, vector<16xf32>,
      %get3A_33 = arith.index_cast %add3A_23 : i32 to index
      %get3A_34 = arith.constant 16 : index
      %get3A_35 = tpu.vector_load %arg10[%get3A_33, %get3A_34] {strides = array<i32>} : memref<512x64xf32, #tpu.memory_space<vmem>>, vector<16xf32>,
      %mul3A_36 = arith.mulf %get3A_32, %get3A_35 : vector<16xf32>
      %add3A_37 = arith.addf %mul3A_29, %mul3A_36 : vector<16xf32>
      %get3A_38 = arith.index_cast %add3A_23 : i32 to index
      %get3A_39 = arith.constant 32 : index
      %get3A_40 = tpu.vector_load %arg9[%get3A_38, %get3A_39] {strides = array<i32>} : memref<512x64xf32, #tpu.memory_space<vmem>>, vector<16xf32>,
      %get3A_41 = arith.index_cast %add3A_23 : i32 to index
      %get3A_42 = arith.constant 32 : index
      %get3A_43 = tpu.vector_load %arg10[%get3A_41, %get3A_42] {strides = array<i32>} : memref<512x64xf32, #tpu.memory_space<vmem>>, vector<16xf32>,
      %mul3A_44 = arith.mulf %get3A_40, %get3A_43 : vector<16xf32>
      %add3A_45 = arith.addf %add3A_37, %mul3A_44 : vector<16xf32>
      %get3A_46 = arith.index_cast %add3A_23 : i32 to index
      %get3A_47 = arith.constant 48 : index
      %get3A_48 = tpu.vector_load %arg9[%get3A_46, %get3A_47] {strides = array<i32>} : memref<512x64xf32, #tpu.memory_space<vmem>>, vector<16xf32>,
      %get3A_49 = arith.index_cast %add3A_23 : i32 to index
      %get3A_50 = arith.constant 48 : index
      %get3A_51 = tpu.vector_load %arg10[%get3A_49, %get3A_50] {strides = array<i32>} : memref<512x64xf32, #tpu.memory_space<vmem>>, vector<16xf32>,
      %mul3A_52 = arith.mulf %get3A_48, %get3A_51 : vector<16xf32>
      %add3A_53 = arith.addf %add3A_45, %mul3A_52 : vector<16xf32>
      %eq3A = arith.constant 0 : i32
      %eq3A_54 = vector.broadcast %eq3A : i32 to vector<16xi32>
      %eq3A_55 = arith.cmpi eq, %iota3A, %eq3A_54 : vector<16xi32>
      %reduce_sum3A = arith.constant true
      %reduce_sum3A_56 = vector.broadcast %reduce_sum3A : i1 to vector<16xi1>
      %reduce_sum3A_57 = tpu.scan <sum>, %add3A_53 masked %reduce_sum3A_56 : vector<16xf32>, vector<16xi1> -> vector<16xf32>
      %reduce_sum3A_58 = vector.extract %reduce_sum3A_57[15] : f32 from vector<16xf32>
      %broadcast_in_dim3A_59 = vector.broadcast %reduce_sum3A_58 : f32 to vector<16xf32>
      %select_n3A = arith.select %eq3A_55, %broadcast_in_dim3A_59, %broadcast_in_dim3A_21 : vector<16xi1>, vector<16xf32>
      %add3A_60 = arith.constant 1 : i32
      %add3A_61 = arith.addi %mul3A_20, %add3A_60 : i32
      %get3A_62 = arith.index_cast %add3A_61 : i32 to index
      %get3A_63 = arith.constant 0 : index
      %get3A_64 = tpu.vector_load %arg9[%get3A_62, %get3A_63] {strides = array<i32>} : memref<512x64xf32, #tpu.memory_space<vmem>>, vector<16xf32>,
      %get3A_65 = arith.index_cast %add3A_61 : i32 to index
      %get3A_66 = arith.constant 0 : index
      %get3A_67 = tpu.vector_load %arg10[%get3A_65, %get3A_66] {strides = array<i32>} : memref<512x64xf32, #tpu.memory_space<vmem>>, vector<16xf32>,
      %mul3A_68 = arith.mulf %get3A_64, %get3A_67 : vector<16xf32>
      %get3A_69 = arith.index_cast %add3A_61 : i32 to index
      %get3A_70 = arith.constant 16 : index
      %get3A_71 = tpu.vector_load %arg9[%get3A_69, %get3A_70] {strides = array<i32>} : memref<512x64xf32, #tpu.memory_space<vmem>>, vector<16xf32>,
      %get3A_72 = arith.index_cast %add3A_61 : i32 to index
      %get3A_73 = arith.constant 16 : index
      %get3A_74 = tpu.vector_load %arg10[%get3A_72, %get3A_73] {strides = array<i32>} : memref<512x64xf32, #tpu.memory_space<vmem>>, vector<16xf32>,
      %mul3A_75 = arith.mulf %get3A_71, %get3A_74 : vector<16xf32>
      %add3A_76 = arith.addf %mul3A_68, %mul3A_75 : vector<16xf32>
      %get3A_77 = arith.index_cast %add3A_61 : i32 to index
      %get3A_78 = arith.constant 32 : index
      %get3A_79 = tpu.vector_load %arg9[%get3A_77, %get3A_78] {strides = array<i32>} : memref<512x64xf32, #tpu.memory_space<vmem>>, vector<16xf32>,
      %get3A_80 = arith.index_cast %add3A_61 : i32 to index
      %get3A_81 = arith.constant 32 : index
      %get3A_82 = tpu.vector_load %arg10[%get3A_80, %get3A_81] {strides = array<i32>} : memref<512x64xf32, #tpu.memory_space<vmem>>, vector<16xf32>,
      %mul3A_83 = arith.mulf %get3A_79, %get3A_82 : vector<16xf32>
      %add3A_84 = arith.addf %add3A_76, %mul3A_83 : vector<16xf32>
      %get3A_85 = arith.index_cast %add3A_61 : i32 to index
      %get3A_86 = arith.constant 48 : index
      %get3A_87 = tpu.vector_load %arg9[%get3A_85, %get3A_86] {strides = array<i32>} : memref<512x64xf32, #tpu.memory_space<vmem>>, vector<16xf32>,
      %get3A_88 = arith.index_cast %add3A_61 : i32 to index
      %get3A_89 = arith.constant 48 : index
      %get3A_90 = tpu.vector_load %arg10[%get3A_88, %get3A_89] {strides = array<i32>} : memref<512x64xf32, #tpu.memory_space<vmem>>, vector<16xf32>,
      %mul3A_91 = arith.mulf %get3A_87, %get3A_90 : vector<16xf32>
      %add3A_92 = arith.addf %add3A_84, %mul3A_91 : vector<16xf32>
      %eq3A_93 = arith.constant 1 : i32
      %eq3A_94 = vector.broadcast %eq3A_93 : i32 to vector<16xi32>
      %eq3A_95 = arith.cmpi eq, %iota3A, %eq3A_94 : vector<16xi32>
      %reduce_sum3A_96 = arith.constant true
      %reduce_sum3A_97 = vector.broadcast %reduce_sum3A_96 : i1 to vector<16xi1>
      %reduce_sum3A_98 = tpu.scan <sum>, %add3A_92 masked %reduce_sum3A_97 : vector<16xf32>, vector<16xi1> -> vector<16xf32>
      %reduce_sum3A_99 = vector.extract %reduce_sum3A_98[15] : f32 from vector<16xf32>
      %broadcast_in_dim3A_100 = vector.broadcast %reduce_sum3A_99 : f32 to vector<16xf32>
      %select_n3A_101 = arith.select %eq3A_95, %broadcast_in_dim3A_100, %select_n3A : vector<16xi1>, vector<16xf32>
      %add3A_102 = arith.constant 2 : i32
      %add3A_103 = arith.addi %mul3A_20, %add3A_102 : i32
      %get3A_104 = arith.index_cast %add3A_103 : i32 to index
      %get3A_105 = arith.constant 0 : index
      %get3A_106 = tpu.vector_load %arg9[%get3A_104, %get3A_105] {strides = array<i32>} : memref<512x64xf32, #tpu.memory_space<vmem>>, vector<16xf32>,
      %get3A_107 = arith.index_cast %add3A_103 : i32 to index
      %get3A_108 = arith.constant 0 : index
      %get3A_109 = tpu.vector_load %arg10[%get3A_107, %get3A_108] {strides = array<i32>} : memref<512x64xf32, #tpu.memory_space<vmem>>, vector<16xf32>,
      %mul3A_110 = arith.mulf %get3A_106, %get3A_109 : vector<16xf32>
      %get3A_111 = arith.index_cast %add3A_103 : i32 to index
      %get3A_112 = arith.constant 16 : index
      %get3A_113 = tpu.vector_load %arg9[%get3A_111, %get3A_112] {strides = array<i32>} : memref<512x64xf32, #tpu.memory_space<vmem>>, vector<16xf32>,
      %get3A_114 = arith.index_cast %add3A_103 : i32 to index
      %get3A_115 = arith.constant 16 : index
      %get3A_116 = tpu.vector_load %arg10[%get3A_114, %get3A_115] {strides = array<i32>} : memref<512x64xf32, #tpu.memory_space<vmem>>, vector<16xf32>,
      %mul3A_117 = arith.mulf %get3A_113, %get3A_116 : vector<16xf32>
      %add3A_118 = arith.addf %mul3A_110, %mul3A_117 : vector<16xf32>
      %get3A_119 = arith.index_cast %add3A_103 : i32 to index
      %get3A_120 = arith.constant 32 : index
      %get3A_121 = tpu.vector_load %arg9[%get3A_119, %get3A_120] {strides = array<i32>} : memref<512x64xf32, #tpu.memory_space<vmem>>, vector<16xf32>,
      %get3A_122 = arith.index_cast %add3A_103 : i32 to index
      %get3A_123 = arith.constant 32 : index
      %get3A_124 = tpu.vector_load %arg10[%get3A_122, %get3A_123] {strides = array<i32>} : memref<512x64xf32, #tpu.memory_space<vmem>>, vector<16xf32>,
      %mul3A_125 = arith.mulf %get3A_121, %get3A_124 : vector<16xf32>
      %add3A_126 = arith.addf %add3A_118, %mul3A_125 : vector<16xf32>
      %get3A_127 = arith.index_cast %add3A_103 : i32 to index
      %get3A_128 = arith.constant 48 : index
      %get3A_129 = tpu.vector_load %arg9[%get3A_127, %get3A_128] {strides = array<i32>} : memref<512x64xf32, #tpu.memory_space<vmem>>, vector<16xf32>,
      %get3A_130 = arith.index_cast %add3A_103 : i32 to index
      %get3A_131 = arith.constant 48 : index
      %get3A_132 = tpu.vector_load %arg10[%get3A_130, %get3A_131] {strides = array<i32>} : memref<512x64xf32, #tpu.memory_space<vmem>>, vector<16xf32>,
      %mul3A_133 = arith.mulf %get3A_129, %get3A_132 : vector<16xf32>
      %add3A_134 = arith.addf %add3A_126, %mul3A_133 : vector<16xf32>
      %eq3A_135 = arith.constant 2 : i32
      %eq3A_136 = vector.broadcast %eq3A_135 : i32 to vector<16xi32>
      %eq3A_137 = arith.cmpi eq, %iota3A, %eq3A_136 : vector<16xi32>
      %reduce_sum3A_138 = arith.constant true
      %reduce_sum3A_139 = vector.broadcast %reduce_sum3A_138 : i1 to vector<16xi1>
      %reduce_sum3A_140 = tpu.scan <sum>, %add3A_134 masked %reduce_sum3A_139 : vector<16xf32>, vector<16xi1> -> vector<16xf32>
      %reduce_sum3A_141 = vector.extract %reduce_sum3A_140[15] : f32 from vector<16xf32>
      %broadcast_in_dim3A_142 = vector.broadcast %reduce_sum3A_141 : f32 to vector<16xf32>
      %select_n3A_143 = arith.select %eq3A_137, %broadcast_in_dim3A_142, %select_n3A_101 : vector<16xi1>, vector<16xf32>
      %add3A_144 = arith.constant 3 : i32
      %add3A_145 = arith.addi %mul3A_20, %add3A_144 : i32
      %get3A_146 = arith.index_cast %add3A_145 : i32 to index
      %get3A_147 = arith.constant 0 : index
      %get3A_148 = tpu.vector_load %arg9[%get3A_146, %get3A_147] {strides = array<i32>} : memref<512x64xf32, #tpu.memory_space<vmem>>, vector<16xf32>,
      %get3A_149 = arith.index_cast %add3A_145 : i32 to index
      %get3A_150 = arith.constant 0 : index
      %get3A_151 = tpu.vector_load %arg10[%get3A_149, %get3A_150] {strides = array<i32>} : memref<512x64xf32, #tpu.memory_space<vmem>>, vector<16xf32>,
      %mul3A_152 = arith.mulf %get3A_148, %get3A_151 : vector<16xf32>
      %get3A_153 = arith.index_cast %add3A_145 : i32 to index
      %get3A_154 = arith.constant 16 : index
      %get3A_155 = tpu.vector_load %arg9[%get3A_153, %get3A_154] {strides = array<i32>} : memref<512x64xf32, #tpu.memory_space<vmem>>, vector<16xf32>,
      %get3A_156 = arith.index_cast %add3A_145 : i32 to index
      %get3A_157 = arith.constant 16 : index
      %get3A_158 = tpu.vector_load %arg10[%get3A_156, %get3A_157] {strides = array<i32>} : memref<512x64xf32, #tpu.memory_space<vmem>>, vector<16xf32>,
      %mul3A_159 = arith.mulf %get3A_155, %get3A_158 : vector<16xf32>
      %add3A_160 = arith.addf %mul3A_152, %mul3A_159 : vector<16xf32>
      %get3A_161 = arith.index_cast %add3A_145 : i32 to index
      %get3A_162 = arith.constant 32 : index
      %get3A_163 = tpu.vector_load %arg9[%get3A_161, %get3A_162] {strides = array<i32>} : memref<512x64xf32, #tpu.memory_space<vmem>>, vector<16xf32>,
      %get3A_164 = arith.index_cast %add3A_145 : i32 to index
      %get3A_165 = arith.constant 32 : index
      %get3A_166 = tpu.vector_load %arg10[%get3A_164, %get3A_165] {strides = array<i32>} : memref<512x64xf32, #tpu.memory_space<vmem>>, vector<16xf32>,
      %mul3A_167 = arith.mulf %get3A_163, %get3A_166 : vector<16xf32>
      %add3A_168 = arith.addf %add3A_160, %mul3A_167 : vector<16xf32>
      %get3A_169 = arith.index_cast %add3A_145 : i32 to index
      %get3A_170 = arith.constant 48 : index
      %get3A_171 = tpu.vector_load %arg9[%get3A_169, %get3A_170] {strides = array<i32>} : memref<512x64xf32, #tpu.memory_space<vmem>>, vector<16xf32>,
      %get3A_172 = arith.index_cast %add3A_145 : i32 to index
      %get3A_173 = arith.constant 48 : index
      %get3A_174 = tpu.vector_load %arg10[%get3A_172, %get3A_173] {strides = array<i32>} : memref<512x64xf32, #tpu.memory_space<vmem>>, vector<16xf32>,
      %mul3A_175 = arith.mulf %get3A_171, %get3A_174 : vector<16xf32>
      %add3A_176 = arith.addf %add3A_168, %mul3A_175 : vector<16xf32>
      %eq3A_177 = arith.constant 3 : i32
      %eq3A_178 = vector.broadcast %eq3A_177 : i32 to vector<16xi32>
      %eq3A_179 = arith.cmpi eq, %iota3A, %eq3A_178 : vector<16xi32>
      %reduce_sum3A_180 = arith.constant true
      %reduce_sum3A_181 = vector.broadcast %reduce_sum3A_180 : i1 to vector<16xi1>
      %reduce_sum3A_182 = tpu.scan <sum>, %add3A_176 masked %reduce_sum3A_181 : vector<16xf32>, vector<16xi1> -> vector<16xf32>
      %reduce_sum3A_183 = vector.extract %reduce_sum3A_182[15] : f32 from vector<16xf32>
      %broadcast_in_dim3A_184 = vector.broadcast %reduce_sum3A_183 : f32 to vector<16xf32>
      %select_n3A_185 = arith.select %eq3A_179, %broadcast_in_dim3A_184, %select_n3A_143 : vector<16xi1>, vector<16xf32>
      %add3A_186 = arith.constant 4 : i32
      %add3A_187 = arith.addi %mul3A_20, %add3A_186 : i32
      %get3A_188 = arith.index_cast %add3A_187 : i32 to index
      %get3A_189 = arith.constant 0 : index
      %get3A_190 = tpu.vector_load %arg9[%get3A_188, %get3A_189] {strides = array<i32>} : memref<512x64xf32, #tpu.memory_space<vmem>>, vector<16xf32>,
      %get3A_191 = arith.index_cast %add3A_187 : i32 to index
      %get3A_192 = arith.constant 0 : index
      %get3A_193 = tpu.vector_load %arg10[%get3A_191, %get3A_192] {strides = array<i32>} : memref<512x64xf32, #tpu.memory_space<vmem>>, vector<16xf32>,
      %mul3A_194 = arith.mulf %get3A_190, %get3A_193 : vector<16xf32>
      %get3A_195 = arith.index_cast %add3A_187 : i32 to index
      %get3A_196 = arith.constant 16 : index
      %get3A_197 = tpu.vector_load %arg9[%get3A_195, %get3A_196] {strides = array<i32>} : memref<512x64xf32, #tpu.memory_space<vmem>>, vector<16xf32>,
      %get3A_198 = arith.index_cast %add3A_187 : i32 to index
      %get3A_199 = arith.constant 16 : index
      %get3A_200 = tpu.vector_load %arg10[%get3A_198, %get3A_199] {strides = array<i32>} : memref<512x64xf32, #tpu.memory_space<vmem>>, vector<16xf32>,
      %mul3A_201 = arith.mulf %get3A_197, %get3A_200 : vector<16xf32>
      %add3A_202 = arith.addf %mul3A_194, %mul3A_201 : vector<16xf32>
      %get3A_203 = arith.index_cast %add3A_187 : i32 to index
      %get3A_204 = arith.constant 32 : index
      %get3A_205 = tpu.vector_load %arg9[%get3A_203, %get3A_204] {strides = array<i32>} : memref<512x64xf32, #tpu.memory_space<vmem>>, vector<16xf32>,
      %get3A_206 = arith.index_cast %add3A_187 : i32 to index
      %get3A_207 = arith.constant 32 : index
      %get3A_208 = tpu.vector_load %arg10[%get3A_206, %get3A_207] {strides = array<i32>} : memref<512x64xf32, #tpu.memory_space<vmem>>, vector<16xf32>,
      %mul3A_209 = arith.mulf %get3A_205, %get3A_208 : vector<16xf32>
      %add3A_210 = arith.addf %add3A_202, %mul3A_209 : vector<16xf32>
      %get3A_211 = arith.index_cast %add3A_187 : i32 to index
      %get3A_212 = arith.constant 48 : index
      %get3A_213 = tpu.vector_load %arg9[%get3A_211, %get3A_212] {strides = array<i32>} : memref<512x64xf32, #tpu.memory_space<vmem>>, vector<16xf32>,
      %get3A_214 = arith.index_cast %add3A_187 : i32 to index
      %get3A_215 = arith.constant 48 : index
      %get3A_216 = tpu.vector_load %arg10[%get3A_214, %get3A_215] {strides = array<i32>} : memref<512x64xf32, #tpu.memory_space<vmem>>, vector<16xf32>,
      %mul3A_217 = arith.mulf %get3A_213, %get3A_216 : vector<16xf32>
      %add3A_218 = arith.addf %add3A_210, %mul3A_217 : vector<16xf32>
      %eq3A_219 = arith.constant 4 : i32
      %eq3A_220 = vector.broadcast %eq3A_219 : i32 to vector<16xi32>
      %eq3A_221 = arith.cmpi eq, %iota3A, %eq3A_220 : vector<16xi32>
      %reduce_sum3A_222 = arith.constant true
      %reduce_sum3A_223 = vector.broadcast %reduce_sum3A_222 : i1 to vector<16xi1>
      %reduce_sum3A_224 = tpu.scan <sum>, %add3A_218 masked %reduce_sum3A_223 : vector<16xf32>, vector<16xi1> -> vector<16xf32>
      %reduce_sum3A_225 = vector.extract %reduce_sum3A_224[15] : f32 from vector<16xf32>
      %broadcast_in_dim3A_226 = vector.broadcast %reduce_sum3A_225 : f32 to vector<16xf32>
      %select_n3A_227 = arith.select %eq3A_221, %broadcast_in_dim3A_226, %select_n3A_185 : vector<16xi1>, vector<16xf32>
      %add3A_228 = arith.constant 5 : i32
      %add3A_229 = arith.addi %mul3A_20, %add3A_228 : i32
      %get3A_230 = arith.index_cast %add3A_229 : i32 to index
      %get3A_231 = arith.constant 0 : index
      %get3A_232 = tpu.vector_load %arg9[%get3A_230, %get3A_231] {strides = array<i32>} : memref<512x64xf32, #tpu.memory_space<vmem>>, vector<16xf32>,
      %get3A_233 = arith.index_cast %add3A_229 : i32 to index
      %get3A_234 = arith.constant 0 : index
      %get3A_235 = tpu.vector_load %arg10[%get3A_233, %get3A_234] {strides = array<i32>} : memref<512x64xf32, #tpu.memory_space<vmem>>, vector<16xf32>,
      %mul3A_236 = arith.mulf %get3A_232, %get3A_235 : vector<16xf32>
      %get3A_237 = arith.index_cast %add3A_229 : i32 to index
      %get3A_238 = arith.constant 16 : index
      %get3A_239 = tpu.vector_load %arg9[%get3A_237, %get3A_238] {strides = array<i32>} : memref<512x64xf32, #tpu.memory_space<vmem>>, vector<16xf32>,
      %get3A_240 = arith.index_cast %add3A_229 : i32 to index
      %get3A_241 = arith.constant 16 : index
      %get3A_242 = tpu.vector_load %arg10[%get3A_240, %get3A_241] {strides = array<i32>} : memref<512x64xf32, #tpu.memory_space<vmem>>, vector<16xf32>,
      %mul3A_243 = arith.mulf %get3A_239, %get3A_242 : vector<16xf32>
      %add3A_244 = arith.addf %mul3A_236, %mul3A_243 : vector<16xf32>
      %get3A_245 = arith.index_cast %add3A_229 : i32 to index
      %get3A_246 = arith.constant 32 : index
      %get3A_247 = tpu.vector_load %arg9[%get3A_245, %get3A_246] {strides = array<i32>} : memref<512x64xf32, #tpu.memory_space<vmem>>, vector<16xf32>,
      %get3A_248 = arith.index_cast %add3A_229 : i32 to index
      %get3A_249 = arith.constant 32 : index
      %get3A_250 = tpu.vector_load %arg10[%get3A_248, %get3A_249] {strides = array<i32>} : memref<512x64xf32, #tpu.memory_space<vmem>>, vector<16xf32>,
      %mul3A_251 = arith.mulf %get3A_247, %get3A_250 : vector<16xf32>
      %add3A_252 = arith.addf %add3A_244, %mul3A_251 : vector<16xf32>
      %get3A_253 = arith.index_cast %add3A_229 : i32 to index
      %get3A_254 = arith.constant 48 : index
      %get3A_255 = tpu.vector_load %arg9[%get3A_253, %get3A_254] {strides = array<i32>} : memref<512x64xf32, #tpu.memory_space<vmem>>, vector<16xf32>,
      %get3A_256 = arith.index_cast %add3A_229 : i32 to index
      %get3A_257 = arith.constant 48 : index
      %get3A_258 = tpu.vector_load %arg10[%get3A_256, %get3A_257] {strides = array<i32>} : memref<512x64xf32, #tpu.memory_space<vmem>>, vector<16xf32>,
      %mul3A_259 = arith.mulf %get3A_255, %get3A_258 : vector<16xf32>
      %add3A_260 = arith.addf %add3A_252, %mul3A_259 : vector<16xf32>
      %eq3A_261 = arith.constant 5 : i32
      %eq3A_262 = vector.broadcast %eq3A_261 : i32 to vector<16xi32>
      %eq3A_263 = arith.cmpi eq, %iota3A, %eq3A_262 : vector<16xi32>
      %reduce_sum3A_264 = arith.constant true
      %reduce_sum3A_265 = vector.broadcast %reduce_sum3A_264 : i1 to vector<16xi1>
      %reduce_sum3A_266 = tpu.scan <sum>, %add3A_260 masked %reduce_sum3A_265 : vector<16xf32>, vector<16xi1> -> vector<16xf32>
      %reduce_sum3A_267 = vector.extract %reduce_sum3A_266[15] : f32 from vector<16xf32>
      %broadcast_in_dim3A_268 = vector.broadcast %reduce_sum3A_267 : f32 to vector<16xf32>
      %select_n3A_269 = arith.select %eq3A_263, %broadcast_in_dim3A_268, %select_n3A_227 : vector<16xi1>, vector<16xf32>
      %add3A_270 = arith.constant 6 : i32
      %add3A_271 = arith.addi %mul3A_20, %add3A_270 : i32
      %get3A_272 = arith.index_cast %add3A_271 : i32 to index
      %get3A_273 = arith.constant 0 : index
      %get3A_274 = tpu.vector_load %arg9[%get3A_272, %get3A_273] {strides = array<i32>} : memref<512x64xf32, #tpu.memory_space<vmem>>, vector<16xf32>,
      %get3A_275 = arith.index_cast %add3A_271 : i32 to index
      %get3A_276 = arith.constant 0 : index
      %get3A_277 = tpu.vector_load %arg10[%get3A_275, %get3A_276] {strides = array<i32>} : memref<512x64xf32, #tpu.memory_space<vmem>>, vector<16xf32>,
      %mul3A_278 = arith.mulf %get3A_274, %get3A_277 : vector<16xf32>
      %get3A_279 = arith.index_cast %add3A_271 : i32 to index
      %get3A_280 = arith.constant 16 : index
      %get3A_281 = tpu.vector_load %arg9[%get3A_279, %get3A_280] {strides = array<i32>} : memref<512x64xf32, #tpu.memory_space<vmem>>, vector<16xf32>,
      %get3A_282 = arith.index_cast %add3A_271 : i32 to index
      %get3A_283 = arith.constant 16 : index
      %get3A_284 = tpu.vector_load %arg10[%get3A_282, %get3A_283] {strides = array<i32>} : memref<512x64xf32, #tpu.memory_space<vmem>>, vector<16xf32>,
      %mul3A_285 = arith.mulf %get3A_281, %get3A_284 : vector<16xf32>
      %add3A_286 = arith.addf %mul3A_278, %mul3A_285 : vector<16xf32>
      %get3A_287 = arith.index_cast %add3A_271 : i32 to index
      %get3A_288 = arith.constant 32 : index
      %get3A_289 = tpu.vector_load %arg9[%get3A_287, %get3A_288] {strides = array<i32>} : memref<512x64xf32, #tpu.memory_space<vmem>>, vector<16xf32>,
      %get3A_290 = arith.index_cast %add3A_271 : i32 to index
      %get3A_291 = arith.constant 32 : index
      %get3A_292 = tpu.vector_load %arg10[%get3A_290, %get3A_291] {strides = array<i32>} : memref<512x64xf32, #tpu.memory_space<vmem>>, vector<16xf32>,
      %mul3A_293 = arith.mulf %get3A_289, %get3A_292 : vector<16xf32>
      %add3A_294 = arith.addf %add3A_286, %mul3A_293 : vector<16xf32>
      %get3A_295 = arith.index_cast %add3A_271 : i32 to index
      %get3A_296 = arith.constant 48 : index
      %get3A_297 = tpu.vector_load %arg9[%get3A_295, %get3A_296] {strides = array<i32>} : memref<512x64xf32, #tpu.memory_space<vmem>>, vector<16xf32>,
      %get3A_298 = arith.index_cast %add3A_271 : i32 to index
      %get3A_299 = arith.constant 48 : index
      %get3A_300 = tpu.vector_load %arg10[%get3A_298, %get3A_299] {strides = array<i32>} : memref<512x64xf32, #tpu.memory_space<vmem>>, vector<16xf32>,
      %mul3A_301 = arith.mulf %get3A_297, %get3A_300 : vector<16xf32>
      %add3A_302 = arith.addf %add3A_294, %mul3A_301 : vector<16xf32>
      %eq3A_303 = arith.constant 6 : i32
      %eq3A_304 = vector.broadcast %eq3A_303 : i32 to vector<16xi32>
      %eq3A_305 = arith.cmpi eq, %iota3A, %eq3A_304 : vector<16xi32>
      %reduce_sum3A_306 = arith.constant true
      %reduce_sum3A_307 = vector.broadcast %reduce_sum3A_306 : i1 to vector<16xi1>
      %reduce_sum3A_308 = tpu.scan <sum>, %add3A_302 masked %reduce_sum3A_307 : vector<16xf32>, vector<16xi1> -> vector<16xf32>
      %reduce_sum3A_309 = vector.extract %reduce_sum3A_308[15] : f32 from vector<16xf32>
      %broadcast_in_dim3A_310 = vector.broadcast %reduce_sum3A_309 : f32 to vector<16xf32>
      %select_n3A_311 = arith.select %eq3A_305, %broadcast_in_dim3A_310, %select_n3A_269 : vector<16xi1>, vector<16xf32>
      %add3A_312 = arith.constant 7 : i32
      %add3A_313 = arith.addi %mul3A_20, %add3A_312 : i32
      %get3A_314 = arith.index_cast %add3A_313 : i32 to index
      %get3A_315 = arith.constant 0 : index
      %get3A_316 = tpu.vector_load %arg9[%get3A_314, %get3A_315] {strides = array<i32>} : memref<512x64xf32, #tpu.memory_space<vmem>>, vector<16xf32>,
      %get3A_317 = arith.index_cast %add3A_313 : i32 to index
      %get3A_318 = arith.constant 0 : index
      %get3A_319 = tpu.vector_load %arg10[%get3A_317, %get3A_318] {strides = array<i32>} : memref<512x64xf32, #tpu.memory_space<vmem>>, vector<16xf32>,
      %mul3A_320 = arith.mulf %get3A_316, %get3A_319 : vector<16xf32>
      %get3A_321 = arith.index_cast %add3A_313 : i32 to index
      %get3A_322 = arith.constant 16 : index
      %get3A_323 = tpu.vector_load %arg9[%get3A_321, %get3A_322] {strides = array<i32>} : memref<512x64xf32, #tpu.memory_space<vmem>>, vector<16xf32>,
      %get3A_324 = arith.index_cast %add3A_313 : i32 to index
      %get3A_325 = arith.constant 16 : index
      %get3A_326 = tpu.vector_load %arg10[%get3A_324, %get3A_325] {strides = array<i32>} : memref<512x64xf32, #tpu.memory_space<vmem>>, vector<16xf32>,
      %mul3A_327 = arith.mulf %get3A_323, %get3A_326 : vector<16xf32>
      %add3A_328 = arith.addf %mul3A_320, %mul3A_327 : vector<16xf32>
      %get3A_329 = arith.index_cast %add3A_313 : i32 to index
      %get3A_330 = arith.constant 32 : index
      %get3A_331 = tpu.vector_load %arg9[%get3A_329, %get3A_330] {strides = array<i32>} : memref<512x64xf32, #tpu.memory_space<vmem>>, vector<16xf32>,
      %get3A_332 = arith.index_cast %add3A_313 : i32 to index
      %get3A_333 = arith.constant 32 : index
      %get3A_334 = tpu.vector_load %arg10[%get3A_332, %get3A_333] {strides = array<i32>} : memref<512x64xf32, #tpu.memory_space<vmem>>, vector<16xf32>,
      %mul3A_335 = arith.mulf %get3A_331, %get3A_334 : vector<16xf32>
      %add3A_336 = arith.addf %add3A_328, %mul3A_335 : vector<16xf32>
      %get3A_337 = arith.index_cast %add3A_313 : i32 to index
      %get3A_338 = arith.constant 48 : index
      %get3A_339 = tpu.vector_load %arg9[%get3A_337, %get3A_338] {strides = array<i32>} : memref<512x64xf32, #tpu.memory_space<vmem>>, vector<16xf32>,
      %get3A_340 = arith.index_cast %add3A_313 : i32 to index
      %get3A_341 = arith.constant 48 : index
      %get3A_342 = tpu.vector_load %arg10[%get3A_340, %get3A_341] {strides = array<i32>} : memref<512x64xf32, #tpu.memory_space<vmem>>, vector<16xf32>,
      %mul3A_343 = arith.mulf %get3A_339, %get3A_342 : vector<16xf32>
      %add3A_344 = arith.addf %add3A_336, %mul3A_343 : vector<16xf32>
      %eq3A_345 = arith.constant 7 : i32
      %eq3A_346 = vector.broadcast %eq3A_345 : i32 to vector<16xi32>
      %eq3A_347 = arith.cmpi eq, %iota3A, %eq3A_346 : vector<16xi32>
      %reduce_sum3A_348 = arith.constant true
      %reduce_sum3A_349 = vector.broadcast %reduce_sum3A_348 : i1 to vector<16xi1>
      %reduce_sum3A_350 = tpu.scan <sum>, %add3A_344 masked %reduce_sum3A_349 : vector<16xf32>, vector<16xi1> -> vector<16xf32>
      %reduce_sum3A_351 = vector.extract %reduce_sum3A_350[15] : f32 from vector<16xf32>
      %broadcast_in_dim3A_352 = vector.broadcast %reduce_sum3A_351 : f32 to vector<16xf32>
      %select_n3A_353 = arith.select %eq3A_347, %broadcast_in_dim3A_352, %select_n3A_311 : vector<16xi1>, vector<16xf32>
      %add3A_354 = arith.constant 8 : i32
      %add3A_355 = arith.addi %mul3A_20, %add3A_354 : i32
      %get3A_356 = arith.index_cast %add3A_355 : i32 to index
      %get3A_357 = arith.constant 0 : index
      %get3A_358 = tpu.vector_load %arg9[%get3A_356, %get3A_357] {strides = array<i32>} : memref<512x64xf32, #tpu.memory_space<vmem>>, vector<16xf32>,
      %get3A_359 = arith.index_cast %add3A_355 : i32 to index
      %get3A_360 = arith.constant 0 : index
      %get3A_361 = tpu.vector_load %arg10[%get3A_359, %get3A_360] {strides = array<i32>} : memref<512x64xf32, #tpu.memory_space<vmem>>, vector<16xf32>,
      %mul3A_362 = arith.mulf %get3A_358, %get3A_361 : vector<16xf32>
      %get3A_363 = arith.index_cast %add3A_355 : i32 to index
      %get3A_364 = arith.constant 16 : index
      %get3A_365 = tpu.vector_load %arg9[%get3A_363, %get3A_364] {strides = array<i32>} : memref<512x64xf32, #tpu.memory_space<vmem>>, vector<16xf32>,
      %get3A_366 = arith.index_cast %add3A_355 : i32 to index
      %get3A_367 = arith.constant 16 : index
      %get3A_368 = tpu.vector_load %arg10[%get3A_366, %get3A_367] {strides = array<i32>} : memref<512x64xf32, #tpu.memory_space<vmem>>, vector<16xf32>,
      %mul3A_369 = arith.mulf %get3A_365, %get3A_368 : vector<16xf32>
      %add3A_370 = arith.addf %mul3A_362, %mul3A_369 : vector<16xf32>
      %get3A_371 = arith.index_cast %add3A_355 : i32 to index
      %get3A_372 = arith.constant 32 : index
      %get3A_373 = tpu.vector_load %arg9[%get3A_371, %get3A_372] {strides = array<i32>} : memref<512x64xf32, #tpu.memory_space<vmem>>, vector<16xf32>,
      %get3A_374 = arith.index_cast %add3A_355 : i32 to index
      %get3A_375 = arith.constant 32 : index
      %get3A_376 = tpu.vector_load %arg10[%get3A_374, %get3A_375] {strides = array<i32>} : memref<512x64xf32, #tpu.memory_space<vmem>>, vector<16xf32>,
      %mul3A_377 = arith.mulf %get3A_373, %get3A_376 : vector<16xf32>
      %add3A_378 = arith.addf %add3A_370, %mul3A_377 : vector<16xf32>
      %get3A_379 = arith.index_cast %add3A_355 : i32 to index
      %get3A_380 = arith.constant 48 : index
      %get3A_381 = tpu.vector_load %arg9[%get3A_379, %get3A_380] {strides = array<i32>} : memref<512x64xf32, #tpu.memory_space<vmem>>, vector<16xf32>,
      %get3A_382 = arith.index_cast %add3A_355 : i32 to index
      %get3A_383 = arith.constant 48 : index
      %get3A_384 = tpu.vector_load %arg10[%get3A_382, %get3A_383] {strides = array<i32>} : memref<512x64xf32, #tpu.memory_space<vmem>>, vector<16xf32>,
      %mul3A_385 = arith.mulf %get3A_381, %get3A_384 : vector<16xf32>
      %add3A_386 = arith.addf %add3A_378, %mul3A_385 : vector<16xf32>
      %eq3A_387 = arith.constant 8 : i32
      %eq3A_388 = vector.broadcast %eq3A_387 : i32 to vector<16xi32>
      %eq3A_389 = arith.cmpi eq, %iota3A, %eq3A_388 : vector<16xi32>
      %reduce_sum3A_390 = arith.constant true
      %reduce_sum3A_391 = vector.broadcast %reduce_sum3A_390 : i1 to vector<16xi1>
      %reduce_sum3A_392 = tpu.scan <sum>, %add3A_386 masked %reduce_sum3A_391 : vector<16xf32>, vector<16xi1> -> vector<16xf32>
      %reduce_sum3A_393 = vector.extract %reduce_sum3A_392[15] : f32 from vector<16xf32>
      %broadcast_in_dim3A_394 = vector.broadcast %reduce_sum3A_393 : f32 to vector<16xf32>
      %select_n3A_395 = arith.select %eq3A_389, %broadcast_in_dim3A_394, %select_n3A_353 : vector<16xi1>, vector<16xf32>
      %add3A_396 = arith.constant 9 : i32
      %add3A_397 = arith.addi %mul3A_20, %add3A_396 : i32
      %get3A_398 = arith.index_cast %add3A_397 : i32 to index
      %get3A_399 = arith.constant 0 : index
      %get3A_400 = tpu.vector_load %arg9[%get3A_398, %get3A_399] {strides = array<i32>} : memref<512x64xf32, #tpu.memory_space<vmem>>, vector<16xf32>,
      %get3A_401 = arith.index_cast %add3A_397 : i32 to index
      %get3A_402 = arith.constant 0 : index
      %get3A_403 = tpu.vector_load %arg10[%get3A_401, %get3A_402] {strides = array<i32>} : memref<512x64xf32, #tpu.memory_space<vmem>>, vector<16xf32>,
      %mul3A_404 = arith.mulf %get3A_400, %get3A_403 : vector<16xf32>
      %get3A_405 = arith.index_cast %add3A_397 : i32 to index
      %get3A_406 = arith.constant 16 : index
      %get3A_407 = tpu.vector_load %arg9[%get3A_405, %get3A_406] {strides = array<i32>} : memref<512x64xf32, #tpu.memory_space<vmem>>, vector<16xf32>,
      %get3A_408 = arith.index_cast %add3A_397 : i32 to index
      %get3A_409 = arith.constant 16 : index
      %get3A_410 = tpu.vector_load %arg10[%get3A_408, %get3A_409] {strides = array<i32>} : memref<512x64xf32, #tpu.memory_space<vmem>>, vector<16xf32>,
      %mul3A_411 = arith.mulf %get3A_407, %get3A_410 : vector<16xf32>
      %add3A_412 = arith.addf %mul3A_404, %mul3A_411 : vector<16xf32>
      %get3A_413 = arith.index_cast %add3A_397 : i32 to index
      %get3A_414 = arith.constant 32 : index
      %get3A_415 = tpu.vector_load %arg9[%get3A_413, %get3A_414] {strides = array<i32>} : memref<512x64xf32, #tpu.memory_space<vmem>>, vector<16xf32>,
      %get3A_416 = arith.index_cast %add3A_397 : i32 to index
      %get3A_417 = arith.constant 32 : index
      %get3A_418 = tpu.vector_load %arg10[%get3A_416, %get3A_417] {strides = array<i32>} : memref<512x64xf32, #tpu.memory_space<vmem>>, vector<16xf32>,
      %mul3A_419 = arith.mulf %get3A_415, %get3A_418 : vector<16xf32>
      %add3A_420 = arith.addf %add3A_412, %mul3A_419 : vector<16xf32>
      %get3A_421 = arith.index_cast %add3A_397 : i32 to index
      %get3A_422 = arith.constant 48 : index
      %get3A_423 = tpu.vector_load %arg9[%get3A_421, %get3A_422] {strides = array<i32>} : memref<512x64xf32, #tpu.memory_space<vmem>>, vector<16xf32>,
      %get3A_424 = arith.index_cast %add3A_397 : i32 to index
      %get3A_425 = arith.constant 48 : index
      %get3A_426 = tpu.vector_load %arg10[%get3A_424, %get3A_425] {strides = array<i32>} : memref<512x64xf32, #tpu.memory_space<vmem>>, vector<16xf32>,
      %mul3A_427 = arith.mulf %get3A_423, %get3A_426 : vector<16xf32>
      %add3A_428 = arith.addf %add3A_420, %mul3A_427 : vector<16xf32>
      %eq3A_429 = arith.constant 9 : i32
      %eq3A_430 = vector.broadcast %eq3A_429 : i32 to vector<16xi32>
      %eq3A_431 = arith.cmpi eq, %iota3A, %eq3A_430 : vector<16xi32>
      %reduce_sum3A_432 = arith.constant true
      %reduce_sum3A_433 = vector.broadcast %reduce_sum3A_432 : i1 to vector<16xi1>
      %reduce_sum3A_434 = tpu.scan <sum>, %add3A_428 masked %reduce_sum3A_433 : vector<16xf32>, vector<16xi1> -> vector<16xf32>
      %reduce_sum3A_435 = vector.extract %reduce_sum3A_434[15] : f32 from vector<16xf32>
      %broadcast_in_dim3A_436 = vector.broadcast %reduce_sum3A_435 : f32 to vector<16xf32>
      %select_n3A_437 = arith.select %eq3A_431, %broadcast_in_dim3A_436, %select_n3A_395 : vector<16xi1>, vector<16xf32>
      %add3A_438 = arith.constant 10 : i32
      %add3A_439 = arith.addi %mul3A_20, %add3A_438 : i32
      %get3A_440 = arith.index_cast %add3A_439 : i32 to index
      %get3A_441 = arith.constant 0 : index
      %get3A_442 = tpu.vector_load %arg9[%get3A_440, %get3A_441] {strides = array<i32>} : memref<512x64xf32, #tpu.memory_space<vmem>>, vector<16xf32>,
      %get3A_443 = arith.index_cast %add3A_439 : i32 to index
      %get3A_444 = arith.constant 0 : index
      %get3A_445 = tpu.vector_load %arg10[%get3A_443, %get3A_444] {strides = array<i32>} : memref<512x64xf32, #tpu.memory_space<vmem>>, vector<16xf32>,
      %mul3A_446 = arith.mulf %get3A_442, %get3A_445 : vector<16xf32>
      %get3A_447 = arith.index_cast %add3A_439 : i32 to index
      %get3A_448 = arith.constant 16 : index
      %get3A_449 = tpu.vector_load %arg9[%get3A_447, %get3A_448] {strides = array<i32>} : memref<512x64xf32, #tpu.memory_space<vmem>>, vector<16xf32>,
      %get3A_450 = arith.index_cast %add3A_439 : i32 to index
      %get3A_451 = arith.constant 16 : index
      %get3A_452 = tpu.vector_load %arg10[%get3A_450, %get3A_451] {strides = array<i32>} : memref<512x64xf32, #tpu.memory_space<vmem>>, vector<16xf32>,
      %mul3A_453 = arith.mulf %get3A_449, %get3A_452 : vector<16xf32>
      %add3A_454 = arith.addf %mul3A_446, %mul3A_453 : vector<16xf32>
      %get3A_455 = arith.index_cast %add3A_439 : i32 to index
      %get3A_456 = arith.constant 32 : index
      %get3A_457 = tpu.vector_load %arg9[%get3A_455, %get3A_456] {strides = array<i32>} : memref<512x64xf32, #tpu.memory_space<vmem>>, vector<16xf32>,
      %get3A_458 = arith.index_cast %add3A_439 : i32 to index
      %get3A_459 = arith.constant 32 : index
      %get3A_460 = tpu.vector_load %arg10[%get3A_458, %get3A_459] {strides = array<i32>} : memref<512x64xf32, #tpu.memory_space<vmem>>, vector<16xf32>,
      %mul3A_461 = arith.mulf %get3A_457, %get3A_460 : vector<16xf32>
      %add3A_462 = arith.addf %add3A_454, %mul3A_461 : vector<16xf32>
      %get3A_463 = arith.index_cast %add3A_439 : i32 to index
      %get3A_464 = arith.constant 48 : index
      %get3A_465 = tpu.vector_load %arg9[%get3A_463, %get3A_464] {strides = array<i32>} : memref<512x64xf32, #tpu.memory_space<vmem>>, vector<16xf32>,
      %get3A_466 = arith.index_cast %add3A_439 : i32 to index
      %get3A_467 = arith.constant 48 : index
      %get3A_468 = tpu.vector_load %arg10[%get3A_466, %get3A_467] {strides = array<i32>} : memref<512x64xf32, #tpu.memory_space<vmem>>, vector<16xf32>,
      %mul3A_469 = arith.mulf %get3A_465, %get3A_468 : vector<16xf32>
      %add3A_470 = arith.addf %add3A_462, %mul3A_469 : vector<16xf32>
      %eq3A_471 = arith.constant 10 : i32
      %eq3A_472 = vector.broadcast %eq3A_471 : i32 to vector<16xi32>
      %eq3A_473 = arith.cmpi eq, %iota3A, %eq3A_472 : vector<16xi32>
      %reduce_sum3A_474 = arith.constant true
      %reduce_sum3A_475 = vector.broadcast %reduce_sum3A_474 : i1 to vector<16xi1>
      %reduce_sum3A_476 = tpu.scan <sum>, %add3A_470 masked %reduce_sum3A_475 : vector<16xf32>, vector<16xi1> -> vector<16xf32>
      %reduce_sum3A_477 = vector.extract %reduce_sum3A_476[15] : f32 from vector<16xf32>
      %broadcast_in_dim3A_478 = vector.broadcast %reduce_sum3A_477 : f32 to vector<16xf32>
      %select_n3A_479 = arith.select %eq3A_473, %broadcast_in_dim3A_478, %select_n3A_437 : vector<16xi1>, vector<16xf32>
      %add3A_480 = arith.constant 11 : i32
      %add3A_481 = arith.addi %mul3A_20, %add3A_480 : i32
      %get3A_482 = arith.index_cast %add3A_481 : i32 to index
      %get3A_483 = arith.constant 0 : index
      %get3A_484 = tpu.vector_load %arg9[%get3A_482, %get3A_483] {strides = array<i32>} : memref<512x64xf32, #tpu.memory_space<vmem>>, vector<16xf32>,
      %get3A_485 = arith.index_cast %add3A_481 : i32 to index
      %get3A_486 = arith.constant 0 : index
      %get3A_487 = tpu.vector_load %arg10[%get3A_485, %get3A_486] {strides = array<i32>} : memref<512x64xf32, #tpu.memory_space<vmem>>, vector<16xf32>,
      %mul3A_488 = arith.mulf %get3A_484, %get3A_487 : vector<16xf32>
      %get3A_489 = arith.index_cast %add3A_481 : i32 to index
      %get3A_490 = arith.constant 16 : index
      %get3A_491 = tpu.vector_load %arg9[%get3A_489, %get3A_490] {strides = array<i32>} : memref<512x64xf32, #tpu.memory_space<vmem>>, vector<16xf32>,
      %get3A_492 = arith.index_cast %add3A_481 : i32 to index
      %get3A_493 = arith.constant 16 : index
      %get3A_494 = tpu.vector_load %arg10[%get3A_492, %get3A_493] {strides = array<i32>} : memref<512x64xf32, #tpu.memory_space<vmem>>, vector<16xf32>,
      %mul3A_495 = arith.mulf %get3A_491, %get3A_494 : vector<16xf32>
      %add3A_496 = arith.addf %mul3A_488, %mul3A_495 : vector<16xf32>
      %get3A_497 = arith.index_cast %add3A_481 : i32 to index
      %get3A_498 = arith.constant 32 : index
      %get3A_499 = tpu.vector_load %arg9[%get3A_497, %get3A_498] {strides = array<i32>} : memref<512x64xf32, #tpu.memory_space<vmem>>, vector<16xf32>,
      %get3A_500 = arith.index_cast %add3A_481 : i32 to index
      %get3A_501 = arith.constant 32 : index
      %get3A_502 = tpu.vector_load %arg10[%get3A_500, %get3A_501] {strides = array<i32>} : memref<512x64xf32, #tpu.memory_space<vmem>>, vector<16xf32>,
      %mul3A_503 = arith.mulf %get3A_499, %get3A_502 : vector<16xf32>
      %add3A_504 = arith.addf %add3A_496, %mul3A_503 : vector<16xf32>
      %get3A_505 = arith.index_cast %add3A_481 : i32 to index
      %get3A_506 = arith.constant 48 : index
      %get3A_507 = tpu.vector_load %arg9[%get3A_505, %get3A_506] {strides = array<i32>} : memref<512x64xf32, #tpu.memory_space<vmem>>, vector<16xf32>,
      %get3A_508 = arith.index_cast %add3A_481 : i32 to index
      %get3A_509 = arith.constant 48 : index
      %get3A_510 = tpu.vector_load %arg10[%get3A_508, %get3A_509] {strides = array<i32>} : memref<512x64xf32, #tpu.memory_space<vmem>>, vector<16xf32>,
      %mul3A_511 = arith.mulf %get3A_507, %get3A_510 : vector<16xf32>
      %add3A_512 = arith.addf %add3A_504, %mul3A_511 : vector<16xf32>
      %eq3A_513 = arith.constant 11 : i32
      %eq3A_514 = vector.broadcast %eq3A_513 : i32 to vector<16xi32>
      %eq3A_515 = arith.cmpi eq, %iota3A, %eq3A_514 : vector<16xi32>
      %reduce_sum3A_516 = arith.constant true
      %reduce_sum3A_517 = vector.broadcast %reduce_sum3A_516 : i1 to vector<16xi1>
      %reduce_sum3A_518 = tpu.scan <sum>, %add3A_512 masked %reduce_sum3A_517 : vector<16xf32>, vector<16xi1> -> vector<16xf32>
      %reduce_sum3A_519 = vector.extract %reduce_sum3A_518[15] : f32 from vector<16xf32>
      %broadcast_in_dim3A_520 = vector.broadcast %reduce_sum3A_519 : f32 to vector<16xf32>
      %select_n3A_521 = arith.select %eq3A_515, %broadcast_in_dim3A_520, %select_n3A_479 : vector<16xi1>, vector<16xf32>
      %add3A_522 = arith.constant 12 : i32
      %add3A_523 = arith.addi %mul3A_20, %add3A_522 : i32
      %get3A_524 = arith.index_cast %add3A_523 : i32 to index
      %get3A_525 = arith.constant 0 : index
      %get3A_526 = tpu.vector_load %arg9[%get3A_524, %get3A_525] {strides = array<i32>} : memref<512x64xf32, #tpu.memory_space<vmem>>, vector<16xf32>,
      %get3A_527 = arith.index_cast %add3A_523 : i32 to index
      %get3A_528 = arith.constant 0 : index
      %get3A_529 = tpu.vector_load %arg10[%get3A_527, %get3A_528] {strides = array<i32>} : memref<512x64xf32, #tpu.memory_space<vmem>>, vector<16xf32>,
      %mul3A_530 = arith.mulf %get3A_526, %get3A_529 : vector<16xf32>
      %get3A_531 = arith.index_cast %add3A_523 : i32 to index
      %get3A_532 = arith.constant 16 : index
      %get3A_533 = tpu.vector_load %arg9[%get3A_531, %get3A_532] {strides = array<i32>} : memref<512x64xf32, #tpu.memory_space<vmem>>, vector<16xf32>,
      %get3A_534 = arith.index_cast %add3A_523 : i32 to index
      %get3A_535 = arith.constant 16 : index
      %get3A_536 = tpu.vector_load %arg10[%get3A_534, %get3A_535] {strides = array<i32>} : memref<512x64xf32, #tpu.memory_space<vmem>>, vector<16xf32>,
      %mul3A_537 = arith.mulf %get3A_533, %get3A_536 : vector<16xf32>
      %add3A_538 = arith.addf %mul3A_530, %mul3A_537 : vector<16xf32>
      %get3A_539 = arith.index_cast %add3A_523 : i32 to index
      %get3A_540 = arith.constant 32 : index
      %get3A_541 = tpu.vector_load %arg9[%get3A_539, %get3A_540] {strides = array<i32>} : memref<512x64xf32, #tpu.memory_space<vmem>>, vector<16xf32>,
      %get3A_542 = arith.index_cast %add3A_523 : i32 to index
      %get3A_543 = arith.constant 32 : index
      %get3A_544 = tpu.vector_load %arg10[%get3A_542, %get3A_543] {strides = array<i32>} : memref<512x64xf32, #tpu.memory_space<vmem>>, vector<16xf32>,
      %mul3A_545 = arith.mulf %get3A_541, %get3A_544 : vector<16xf32>
      %add3A_546 = arith.addf %add3A_538, %mul3A_545 : vector<16xf32>
      %get3A_547 = arith.index_cast %add3A_523 : i32 to index
      %get3A_548 = arith.constant 48 : index
      %get3A_549 = tpu.vector_load %arg9[%get3A_547, %get3A_548] {strides = array<i32>} : memref<512x64xf32, #tpu.memory_space<vmem>>, vector<16xf32>,
      %get3A_550 = arith.index_cast %add3A_523 : i32 to index
      %get3A_551 = arith.constant 48 : index
      %get3A_552 = tpu.vector_load %arg10[%get3A_550, %get3A_551] {strides = array<i32>} : memref<512x64xf32, #tpu.memory_space<vmem>>, vector<16xf32>,
      %mul3A_553 = arith.mulf %get3A_549, %get3A_552 : vector<16xf32>
      %add3A_554 = arith.addf %add3A_546, %mul3A_553 : vector<16xf32>
      %eq3A_555 = arith.constant 12 : i32
      %eq3A_556 = vector.broadcast %eq3A_555 : i32 to vector<16xi32>
      %eq3A_557 = arith.cmpi eq, %iota3A, %eq3A_556 : vector<16xi32>
      %reduce_sum3A_558 = arith.constant true
      %reduce_sum3A_559 = vector.broadcast %reduce_sum3A_558 : i1 to vector<16xi1>
      %reduce_sum3A_560 = tpu.scan <sum>, %add3A_554 masked %reduce_sum3A_559 : vector<16xf32>, vector<16xi1> -> vector<16xf32>
      %reduce_sum3A_561 = vector.extract %reduce_sum3A_560[15] : f32 from vector<16xf32>
      %broadcast_in_dim3A_562 = vector.broadcast %reduce_sum3A_561 : f32 to vector<16xf32>
      %select_n3A_563 = arith.select %eq3A_557, %broadcast_in_dim3A_562, %select_n3A_521 : vector<16xi1>, vector<16xf32>
      %add3A_564 = arith.constant 13 : i32
      %add3A_565 = arith.addi %mul3A_20, %add3A_564 : i32
      %get3A_566 = arith.index_cast %add3A_565 : i32 to index
      %get3A_567 = arith.constant 0 : index
      %get3A_568 = tpu.vector_load %arg9[%get3A_566, %get3A_567] {strides = array<i32>} : memref<512x64xf32, #tpu.memory_space<vmem>>, vector<16xf32>,
      %get3A_569 = arith.index_cast %add3A_565 : i32 to index
      %get3A_570 = arith.constant 0 : index
      %get3A_571 = tpu.vector_load %arg10[%get3A_569, %get3A_570] {strides = array<i32>} : memref<512x64xf32, #tpu.memory_space<vmem>>, vector<16xf32>,
      %mul3A_572 = arith.mulf %get3A_568, %get3A_571 : vector<16xf32>
      %get3A_573 = arith.index_cast %add3A_565 : i32 to index
      %get3A_574 = arith.constant 16 : index
      %get3A_575 = tpu.vector_load %arg9[%get3A_573, %get3A_574] {strides = array<i32>} : memref<512x64xf32, #tpu.memory_space<vmem>>, vector<16xf32>,
      %get3A_576 = arith.index_cast %add3A_565 : i32 to index
      %get3A_577 = arith.constant 16 : index
      %get3A_578 = tpu.vector_load %arg10[%get3A_576, %get3A_577] {strides = array<i32>} : memref<512x64xf32, #tpu.memory_space<vmem>>, vector<16xf32>,
      %mul3A_579 = arith.mulf %get3A_575, %get3A_578 : vector<16xf32>
      %add3A_580 = arith.addf %mul3A_572, %mul3A_579 : vector<16xf32>
      %get3A_581 = arith.index_cast %add3A_565 : i32 to index
      %get3A_582 = arith.constant 32 : index
      %get3A_583 = tpu.vector_load %arg9[%get3A_581, %get3A_582] {strides = array<i32>} : memref<512x64xf32, #tpu.memory_space<vmem>>, vector<16xf32>,
      %get3A_584 = arith.index_cast %add3A_565 : i32 to index
      %get3A_585 = arith.constant 32 : index
      %get3A_586 = tpu.vector_load %arg10[%get3A_584, %get3A_585] {strides = array<i32>} : memref<512x64xf32, #tpu.memory_space<vmem>>, vector<16xf32>,
      %mul3A_587 = arith.mulf %get3A_583, %get3A_586 : vector<16xf32>
      %add3A_588 = arith.addf %add3A_580, %mul3A_587 : vector<16xf32>
      %get3A_589 = arith.index_cast %add3A_565 : i32 to index
      %get3A_590 = arith.constant 48 : index
      %get3A_591 = tpu.vector_load %arg9[%get3A_589, %get3A_590] {strides = array<i32>} : memref<512x64xf32, #tpu.memory_space<vmem>>, vector<16xf32>,
      %get3A_592 = arith.index_cast %add3A_565 : i32 to index
      %get3A_593 = arith.constant 48 : index
      %get3A_594 = tpu.vector_load %arg10[%get3A_592, %get3A_593] {strides = array<i32>} : memref<512x64xf32, #tpu.memory_space<vmem>>, vector<16xf32>,
      %mul3A_595 = arith.mulf %get3A_591, %get3A_594 : vector<16xf32>
      %add3A_596 = arith.addf %add3A_588, %mul3A_595 : vector<16xf32>
      %eq3A_597 = arith.constant 13 : i32
      %eq3A_598 = vector.broadcast %eq3A_597 : i32 to vector<16xi32>
      %eq3A_599 = arith.cmpi eq, %iota3A, %eq3A_598 : vector<16xi32>
      %reduce_sum3A_600 = arith.constant true
      %reduce_sum3A_601 = vector.broadcast %reduce_sum3A_600 : i1 to vector<16xi1>
      %reduce_sum3A_602 = tpu.scan <sum>, %add3A_596 masked %reduce_sum3A_601 : vector<16xf32>, vector<16xi1> -> vector<16xf32>
      %reduce_sum3A_603 = vector.extract %reduce_sum3A_602[15] : f32 from vector<16xf32>
      %broadcast_in_dim3A_604 = vector.broadcast %reduce_sum3A_603 : f32 to vector<16xf32>
      %select_n3A_605 = arith.select %eq3A_599, %broadcast_in_dim3A_604, %select_n3A_563 : vector<16xi1>, vector<16xf32>
      %add3A_606 = arith.constant 14 : i32
      %add3A_607 = arith.addi %mul3A_20, %add3A_606 : i32
      %get3A_608 = arith.index_cast %add3A_607 : i32 to index
      %get3A_609 = arith.constant 0 : index
      %get3A_610 = tpu.vector_load %arg9[%get3A_608, %get3A_609] {strides = array<i32>} : memref<512x64xf32, #tpu.memory_space<vmem>>, vector<16xf32>,
      %get3A_611 = arith.index_cast %add3A_607 : i32 to index
      %get3A_612 = arith.constant 0 : index
      %get3A_613 = tpu.vector_load %arg10[%get3A_611, %get3A_612] {strides = array<i32>} : memref<512x64xf32, #tpu.memory_space<vmem>>, vector<16xf32>,
      %mul3A_614 = arith.mulf %get3A_610, %get3A_613 : vector<16xf32>
      %get3A_615 = arith.index_cast %add3A_607 : i32 to index
      %get3A_616 = arith.constant 16 : index
      %get3A_617 = tpu.vector_load %arg9[%get3A_615, %get3A_616] {strides = array<i32>} : memref<512x64xf32, #tpu.memory_space<vmem>>, vector<16xf32>,
      %get3A_618 = arith.index_cast %add3A_607 : i32 to index
      %get3A_619 = arith.constant 16 : index
      %get3A_620 = tpu.vector_load %arg10[%get3A_618, %get3A_619] {strides = array<i32>} : memref<512x64xf32, #tpu.memory_space<vmem>>, vector<16xf32>,
      %mul3A_621 = arith.mulf %get3A_617, %get3A_620 : vector<16xf32>
      %add3A_622 = arith.addf %mul3A_614, %mul3A_621 : vector<16xf32>
      %get3A_623 = arith.index_cast %add3A_607 : i32 to index
      %get3A_624 = arith.constant 32 : index
      %get3A_625 = tpu.vector_load %arg9[%get3A_623, %get3A_624] {strides = array<i32>} : memref<512x64xf32, #tpu.memory_space<vmem>>, vector<16xf32>,
      %get3A_626 = arith.index_cast %add3A_607 : i32 to index
      %get3A_627 = arith.constant 32 : index
      %get3A_628 = tpu.vector_load %arg10[%get3A_626, %get3A_627] {strides = array<i32>} : memref<512x64xf32, #tpu.memory_space<vmem>>, vector<16xf32>,
      %mul3A_629 = arith.mulf %get3A_625, %get3A_628 : vector<16xf32>
      %add3A_630 = arith.addf %add3A_622, %mul3A_629 : vector<16xf32>
      %get3A_631 = arith.index_cast %add3A_607 : i32 to index
      %get3A_632 = arith.constant 48 : index
      %get3A_633 = tpu.vector_load %arg9[%get3A_631, %get3A_632] {strides = array<i32>} : memref<512x64xf32, #tpu.memory_space<vmem>>, vector<16xf32>,
      %get3A_634 = arith.index_cast %add3A_607 : i32 to index
      %get3A_635 = arith.constant 48 : index
      %get3A_636 = tpu.vector_load %arg10[%get3A_634, %get3A_635] {strides = array<i32>} : memref<512x64xf32, #tpu.memory_space<vmem>>, vector<16xf32>,
      %mul3A_637 = arith.mulf %get3A_633, %get3A_636 : vector<16xf32>
      %add3A_638 = arith.addf %add3A_630, %mul3A_637 : vector<16xf32>
      %eq3A_639 = arith.constant 14 : i32
      %eq3A_640 = vector.broadcast %eq3A_639 : i32 to vector<16xi32>
      %eq3A_641 = arith.cmpi eq, %iota3A, %eq3A_640 : vector<16xi32>
      %reduce_sum3A_642 = arith.constant true
      %reduce_sum3A_643 = vector.broadcast %reduce_sum3A_642 : i1 to vector<16xi1>
      %reduce_sum3A_644 = tpu.scan <sum>, %add3A_638 masked %reduce_sum3A_643 : vector<16xf32>, vector<16xi1> -> vector<16xf32>
      %reduce_sum3A_645 = vector.extract %reduce_sum3A_644[15] : f32 from vector<16xf32>
      %broadcast_in_dim3A_646 = vector.broadcast %reduce_sum3A_645 : f32 to vector<16xf32>
      %select_n3A_647 = arith.select %eq3A_641, %broadcast_in_dim3A_646, %select_n3A_605 : vector<16xi1>, vector<16xf32>
      %add3A_648 = arith.constant 15 : i32
      %add3A_649 = arith.addi %mul3A_20, %add3A_648 : i32
      %get3A_650 = arith.index_cast %add3A_649 : i32 to index
      %get3A_651 = arith.constant 0 : index
      %get3A_652 = tpu.vector_load %arg9[%get3A_650, %get3A_651] {strides = array<i32>} : memref<512x64xf32, #tpu.memory_space<vmem>>, vector<16xf32>,
      %get3A_653 = arith.index_cast %add3A_649 : i32 to index
      %get3A_654 = arith.constant 0 : index
      %get3A_655 = tpu.vector_load %arg10[%get3A_653, %get3A_654] {strides = array<i32>} : memref<512x64xf32, #tpu.memory_space<vmem>>, vector<16xf32>,
      %mul3A_656 = arith.mulf %get3A_652, %get3A_655 : vector<16xf32>
      %get3A_657 = arith.index_cast %add3A_649 : i32 to index
      %get3A_658 = arith.constant 16 : index
      %get3A_659 = tpu.vector_load %arg9[%get3A_657, %get3A_658] {strides = array<i32>} : memref<512x64xf32, #tpu.memory_space<vmem>>, vector<16xf32>,
      %get3A_660 = arith.index_cast %add3A_649 : i32 to index
      %get3A_661 = arith.constant 16 : index
      %get3A_662 = tpu.vector_load %arg10[%get3A_660, %get3A_661] {strides = array<i32>} : memref<512x64xf32, #tpu.memory_space<vmem>>, vector<16xf32>,
      %mul3A_663 = arith.mulf %get3A_659, %get3A_662 : vector<16xf32>
      %add3A_664 = arith.addf %mul3A_656, %mul3A_663 : vector<16xf32>
      %get3A_665 = arith.index_cast %add3A_649 : i32 to index
      %get3A_666 = arith.constant 32 : index
      %get3A_667 = tpu.vector_load %arg9[%get3A_665, %get3A_666] {strides = array<i32>} : memref<512x64xf32, #tpu.memory_space<vmem>>, vector<16xf32>,
      %get3A_668 = arith.index_cast %add3A_649 : i32 to index
      %get3A_669 = arith.constant 32 : index
      %get3A_670 = tpu.vector_load %arg10[%get3A_668, %get3A_669] {strides = array<i32>} : memref<512x64xf32, #tpu.memory_space<vmem>>, vector<16xf32>,
      %mul3A_671 = arith.mulf %get3A_667, %get3A_670 : vector<16xf32>
      %add3A_672 = arith.addf %add3A_664, %mul3A_671 : vector<16xf32>
      %get3A_673 = arith.index_cast %add3A_649 : i32 to index
      %get3A_674 = arith.constant 48 : index
      %get3A_675 = tpu.vector_load %arg9[%get3A_673, %get3A_674] {strides = array<i32>} : memref<512x64xf32, #tpu.memory_space<vmem>>, vector<16xf32>,
      %get3A_676 = arith.index_cast %add3A_649 : i32 to index
      %get3A_677 = arith.constant 48 : index
      %get3A_678 = tpu.vector_load %arg10[%get3A_676, %get3A_677] {strides = array<i32>} : memref<512x64xf32, #tpu.memory_space<vmem>>, vector<16xf32>,
      %mul3A_679 = arith.mulf %get3A_675, %get3A_678 : vector<16xf32>
      %add3A_680 = arith.addf %add3A_672, %mul3A_679 : vector<16xf32>
      %eq3A_681 = arith.constant 15 : i32
      %eq3A_682 = vector.broadcast %eq3A_681 : i32 to vector<16xi32>
      %eq3A_683 = arith.cmpi eq, %iota3A, %eq3A_682 : vector<16xi32>
      %reduce_sum3A_684 = arith.constant true
      %reduce_sum3A_685 = vector.broadcast %reduce_sum3A_684 : i1 to vector<16xi1>
      %reduce_sum3A_686 = tpu.scan <sum>, %add3A_680 masked %reduce_sum3A_685 : vector<16xf32>, vector<16xi1> -> vector<16xf32>
      %reduce_sum3A_687 = vector.extract %reduce_sum3A_686[15] : f32 from vector<16xf32>
      %broadcast_in_dim3A_688 = vector.broadcast %reduce_sum3A_687 : f32 to vector<16xf32>
      %select_n3A_689 = arith.select %eq3A_683, %broadcast_in_dim3A_688, %select_n3A_647 : vector<16xi1>, vector<16xf32>
      %exp3A = math.exp %select_n3A_689 : vector<16xf32>
      %add3A_690 = arith.constant 1.000000e+00 : f32
      %add3A_691 = vector.broadcast %add3A_690 : f32 to vector<16xf32>
      %add3A_692 = arith.addf %add3A_691, %exp3A : vector<16xf32>
      %div3A = arith.constant 1.000000e+00 : f32
      %div3A_693 = vector.broadcast %div3A : f32 to vector<16xf32>
      %div3A_694 = arith.divf %div3A_693, %add3A_692 : vector<16xf32>
      %swap3A = arith.index_cast %mul3A_20 : i32 to index
      %swap3A_695 = tpu.vector_load %arg11[%swap3A] {strides = array<i32>} : memref<512xf32, #tpu.memory_space<vmem>>, vector<16xf32>,
      tpu.vector_store %arg11[%swap3A], %div3A_694 {strides = array<i32>} : memref<512xf32, #tpu.memory_space<vmem>>, vector<16xf32>,
    }
    %scan3A_17 = arith.constant 32 : i32
    "tpu.region"() ({
      %run_scoped3A = tpu.sem_alloc : memref<!tpu.dma_semaphore, #tpu.memory_space<semaphore_mem>>
      %dma_start3A_18 = tpu.memref_slice %arg6[%mul3A_2] : memref<16384xf32, #tpu.memory_space<hbm>> -> memref<512xf32, #tpu.memory_space<hbm>>
      %dma_start3A_19 = tpu.memref_slice %arg6[%mul3A_2] : memref<16384xf32, #tpu.memory_space<hbm>> -> memref<512xf32, #tpu.memory_space<hbm>>
      tpu.enqueue_dma source(%arg11 : memref<512xf32, #tpu.memory_space<vmem>>) target(%dma_start3A_19 : memref<512xf32, #tpu.memory_space<hbm>>) target_semaphore(%run_scoped3A : memref<!tpu.dma_semaphore, #tpu.memory_space<semaphore_mem>>)
      %dma_wait3A_20 = tpu.memref_slice %arg6[%mul3A_2] : memref<16384xf32, #tpu.memory_space<hbm>> -> memref<512xf32, #tpu.memory_space<hbm>>
      %dma_wait3A_21 = tpu.memref_slice %arg6[%mul3A_2] : memref<16384xf32, #tpu.memory_space<hbm>> -> memref<512xf32, #tpu.memory_space<hbm>>
      tpu.wait_dma2 semaphore(%run_scoped3A : memref<!tpu.dma_semaphore, #tpu.memory_space<semaphore_mem>>) src(%arg11 : memref<512xf32, #tpu.memory_space<vmem>>) dst(%dma_wait3A_21 : memref<512xf32, #tpu.memory_space<hbm>>)
      tpu.yield
    }) : () -> ()
    return
  }
}

</mosaic_0001>

<sc_bundles>
// kernel: kernel.3.cloned.1.call-start
scs
__scs_entry_jumppad:
0x0: {  	(pc) =	sbr.rel $0x88, $3  }
0x1: {  	(tag) =	ssettag $0x0;
	lr =	simm.s32 $0x1  }
0x2: {  	[smem:$0x3F9E] =	sst lr;
	_ =	strace $0xD0000000  }
0x3: {  	_ = 	snop  }
0x4: {  	_ = 	snop  }
0x5: {  	_ = 	snop  }
0x6: {  	_ = 	snop  }
0x7: {  	_ = 	snop  }
__scs_overlays_trampoline_lowered:
0x8: {  	[smem:$0x3FAD] =	sst s0  }
0x9: {  	[smem:$0x3FAE] =	sst s1  }
0xa: {  	[smem:$0x3FAF] =	sst s2  }
0xb: {  	[smem:$0x3FB0] =	sst s3  }
0xc: {  	[smem:$0x3FB1] =	sst s4  }
0xd: {  	[smem:$0x3FB2] =	sst s5  }
0xe: {  	[smem:$0x3FB3] =	sst s6  }
0xf: {  	[smem:$0x3FB4] =	sst s7  }
0x10: {  	[smem:$0x3FB5] =	sst s8  }
0x11: {  	[smem:$0x3FB6] =	sst s9;
	s0 =	simm.s32 @!p0 $0x0  }
0x12: {  	s1 =	sld [smem:$0x3F9C];
	s0 =	simm.s32 @p0 $0x1  }
0x13: {  	[smem:$0x3FB7] =	sst s0;
	s0 =	simm.s32 @!p1 $0x0  }
0x14: {  	s2 =	sld [smem:$0x3F9B];
	s0 =	simm.s32 @p1 $0x1  }
0x15: {  	[smem:$0x3FB8] =	sst s0;
	s0 =	simm.s32 @!p2 $0x0  }
0x16: {  	s3 =	sld [smem:$0x3FDB];
	s0 =	simm.s32 @p2 $0x1  }
0x17: {  	s4 =	simm.s32 $0x1BF5;
	[smem:$0x3FBA] =	sst s0  }
0x18: {  	s0 =	sld [smem:$0x3F9D];
	_ =	swait.ge [sflag:s4], $0x0  }
0x19: {  	s7 =	sld [smem:$0x3F9E]  }
0x1a: {  	s8 =	sadd.s32 $0xFFFFE003, lr  }
0x1b: {  	s9 =	sadd.s32 $0xFFFFFEF7, lr;
	s5 =	simm.s32 $0xFFFFFFFF;
	p2 =	slt.u32 s8, $0xFFFFF086  }
0x1c: {  	p1 =	slt.u32 s9, $0xF7A;
	s5 =	simm.s32 @!p2 $0x0  }
0x1d: {  	s5 =	simm.s32 @p1 $0x1;
	p0 =	seq.s32 s7, s2  }
0x1e: {  	s7 =	smul.u32 @!p0 $0xF7A, s2;
	p2 =	seq.s32 @!p0 s5, $0x0  }
0x1f: {  	s9 =	smul.u32 $0xF7A, s1;
	s8 =	simm.s32 @!p0 $0x1BF5;
	p2 =	por !p2, p0  }
0x20: {  	[sflag:s8] =	ssyncset.s32 @!p0 $0xFFFFF086;
	s6 =	sadd.s32 @!p0 s3, s7;
	s7 =	simm.s32 @!p0 $0x108  }
0x21: {  	s3 =	sadd.s32 s3, s9;
	s6 =	sadd.s32 @!p0 $0x88, s6;
	s7 =	simm.s32 @p2 $0x1082  }
0x22: {  	[simem:s7], [sflag:s8] =	dma.local @!p0 [hbm:s6], $0xF7A  }
0x23: {  	s9 =	sor.u32 $0xD0000000, s2;
	s6 =	simm.s32 $0x108;
	_ =	swait.ge @!p0 [sflag:s8], $0x0  }
0x24: {  	s3 =	sadd.s32 $0x88, s3;
	s6 =	simm.s32 @!p1 $0x1082;
	[sflag:s4] =	ssyncset.s32 $0xFFFFF086  }
0x25: {  	[simem:s6], [sflag:s4] =	dma.local [hbm:s3], $0xF7A  }
0x26: {  	[smem:$0x3F9E] =	sst s1;
	(tag) =	ssettag s2;
	_ =	strace s9  }
0x27: {  	s1 =	sld [smem:$0x3FAE]  }
0x28: {  	s2 =	sld [smem:$0x3FAF]  }
0x29: {  	s4 =	sld [smem:$0x3FB1]  }
0x2a: {  	p0 =	seq.s32 s5, $0x0;
	s5 =	sld [smem:$0x3FB2]  }
0x2b: {  	s6 =	sld [smem:$0x3FB3]  }
0x2c: {  	s7 =	sld [smem:$0x3FB4]  }
0x2d: {  	s3 =	simm.s32 $0x108;
	s8 =	sld [smem:$0x3FB5]  }
0x2e: {  	s3 =	simm.s32 @!p0 $0x1082;
	s9 =	sld [smem:$0x3FB6]  }
0x2f: {  	lr =	sadd.s32 s0, s3;
	s0 =	sld [smem:$0x3FAD]  }
0x30: {  	s3 =	sld [smem:$0x3FB0]  }
0x31: {  	[smem:$0x3FB9] =	sst s10  }
0x32: {  	s10 =	sld [smem:$0x3FB7];
	_ =	sdelay $0x3  }
0x33: {  	p0 =	seq.s32 s10, $0x1;
	s10 =	sld [smem:$0x3FB9];
	_ =	sdelay $0x3  }
0x34: {  	[smem:$0x3FB9] =	sst s10  }
0x35: {  	s10 =	sld [smem:$0x3FB8];
	_ =	sdelay $0x3  }
0x36: {  	p1 =	seq.s32 s10, $0x1;
	s10 =	sld [smem:$0x3FB9];
	_ =	sdelay $0x3  }
0x37: {  	[smem:$0x3FB9] =	sst s10  }
0x38: {  	s10 =	sld [smem:$0x3FBA]  }
0x39: {  	_ = 	snop;
	(pc) =	sbr.ind lr, $3  }
0x3a: {  	_ = 	snop  }
0x3b: {  	_ = 	snop  }
0x3c: {  	p2 =	seq.s32 s10, $0x1;
	s10 =	sld [smem:$0x3FB9]  }
0x3d: {  	_ =	shalt  }
0x3e: {  	_ =	shalt  }
0x3f: {  	_ =	shalt  }
0x40: {  	_ =	shalt  }
0x41: {  	_ =	shalt  }
0x42: {  	_ =	shalt  }
0x43: {  	_ =	shalt  }
0x44: {  	_ =	shalt  }
0x45: {  	_ =	shalt  }
0x46: {  	_ =	shalt  }
0x47: {  	_ =	shalt  }
0x48: {  	_ =	shalt  }
0x49: {  	_ =	shalt  }
0x4a: {  	_ =	shalt  }
0x4b: {  	_ =	shalt  }
0x4c: {  	_ =	shalt  }
0x4d: {  	_ =	shalt  }
0x4e: {  	_ =	shalt  }
0x4f: {  	_ =	shalt  }
0x50: {  	_ =	shalt  }
0x51: {  	_ =	shalt  }
0x52: {  	_ =	shalt  }
0x53: {  	_ =	shalt  }
0x54: {  	_ =	shalt  }
0x55: {  	_ =	shalt  }
0x56: {  	_ =	shalt  }
0x57: {  	_ =	shalt  }
0x58: {  	_ =	shalt  }
0x59: {  	_ =	shalt  }
0x5a: {  	_ =	shalt  }
0x5b: {  	_ =	shalt  }
0x5c: {  	_ =	shalt  }
0x5d: {  	_ =	shalt  }
0x5e: {  	_ =	shalt  }
0x5f: {  	_ =	shalt  }
0x60: {  	_ =	shalt  }
0x61: {  	_ =	shalt  }
0x62: {  	_ =	shalt  }
0x63: {  	_ =	shalt  }
0x64: {  	_ =	shalt  }
0x65: {  	_ =	shalt  }
0x66: {  	_ =	shalt  }
0x67: {  	_ =	shalt  }
0x68: {  	_ =	shalt  }
0x69: {  	_ =	shalt  }
0x6a: {  	_ =	shalt  }
0x6b: {  	_ =	shalt  }
0x6c: {  	_ =	shalt  }
0x6d: {  	_ =	shalt  }
0x6e: {  	_ =	shalt  }
0x6f: {  	_ =	shalt  }
0x70: {  	_ =	shalt  }
0x71: {  	_ =	shalt  }
0x72: {  	_ =	shalt  }
0x73: {  	_ =	shalt  }
0x74: {  	_ =	shalt  }
0x75: {  	_ =	shalt  }
0x76: {  	_ =	shalt  }
0x77: {  	_ =	shalt  }
0x78: {  	_ =	shalt  }
0x79: {  	_ =	shalt  }
0x7a: {  	_ =	shalt  }
0x7b: {  	_ =	shalt  }
0x7c: {  	_ =	shalt  }
0x7d: {  	_ =	shalt  }
0x7e: {  	_ =	shalt  }
0x7f: {  	_ =	shalt  }
0x80: {  	_ =	shalt  }
0x81: {  	_ =	shalt  }
0x82: {  	_ =	shalt  }
0x83: {  	_ =	shalt  }
0x84: {  	_ =	shalt  }
0x85: {  	_ =	shalt  }
0x86: {  	_ =	shalt  }
0x87: {  	_ =	shalt  }
.Lfunc_end0:
.L_simem_size_0:
called_computation_lowered:
.L_overlay_start_0:
0x88: {  	s2 =	sld [smem:$0x3FD9]  }
0x89: {  	s3 =	sld [smem:$0x3FFE];
	_ =	sdelay $0x1  }
0x8a: {  	s1 =	srdreg.scid  }
0x8b: {  	s0 =	sand.u32 $0x1, s1  }
0x8c: {  	s17 =	sshll.u32 s0, $0xA;
	s2 =	sadd.s32 s3, s2  }
0x8d: {  	s2 =	sadd.s32 s2, s17  }
0x8e: {  	[smem:$0x3FC5] =	sst s2  }
0x8f: {  	_ = 	snop  }
0x90: {  	s2 =	sld [smem:$0x3FD0];
	(tm) =	ssettm $0x1  }
0x91: {  	s18 =	sld [smem:$0x3FFB];
	_ =	sdelay $0x3  }
0x92: {  	_ =	strace s18  }
0x93: {  	s3 =	sld [smem:$0x3FFC];
	_ =	sdelay $0x3  }
0x94: {  	_ =	strace s3  }
0x95: {  	s3 =	sld [smem:$0x3FFD];
	_ =	sdelay $0x3  }
0x96: {  	_ =	strace s3  }
0x97: {  	_ =	strace $0x8FFFFFFF  }
0x98: {  	s19 =	sld [smem:$0x3FDB];
	_ =	sdelay $0x1  }
0x99: {  	s4 =	simm.s32 $_scs_section_size  }
0x9a: {  	s5 =	simm.s32 $_size__tile_overlayer_lowered;
	s6 =	simm.s32 $_tile_overlayer_lowered  }
0x9b: {  	s22 =	simm.s32 $0x1BFF;
	s21 =	sshll.u32 s6, $0x1;
	s3 =	sadd.s32 s4, s19  }
0x9c: {  	s7 =	simm.s32 $0x0;
	s20 =	sshll.u32 s5, $0x1;
	s5 =	sadd.s32 s21, s3  }
0x9d: {  	[timem:s7], [sflag:s22] =	dma.local [hbm:s5], s20  }
0x9e: {  	_ =	swait.ge [sflag:s22], s20  }
0x9f: {  	s4 =	ssub.s32 $0x0, s20;
	[sflag:s22] =	ssyncset.done $0x0  }
0xa0: {  	[sflag:s22] =	ssyncadd.s32 s4;
	_ =	sdelay $0x1  }
0xa1: {  	s23 =	simm.s32 $0x1B8B  }
0xa2: {  	_ =	swait.ge [sflag:s23], $0x1  }
0xa3: {  	[sflag:s23] =	ssyncset.done $0x0  }
0xa4: {  	s25 =	simm.s32 $0x1B8E;
	s24 =	sld [smem:$0x3FFE];
	[sflag:s23] =	ssyncadd.s32 $0xFFFFFFFF  }
0xa5: {  	s26 =	simm.s32 $execute0_lowered;
	[smem:$0x3FD2] =	sst s25  }
0xa6: {  	s5 =	sshll.u32 s26, $0x1;
	_ =	strace $0x80000046;
	[dreg:$0x1] =	wrdreg $0xFFFFFFFF  }
0xa7: {  	s28 =	simm.s32 $_size_execute0_lowered;
	s3 =	sadd.s32 s3, s5;
	[dreg:$0x0] =	wrdreg $0x0  }
0xa8: {  	s5 =	sshll.u32 s28, $0x1;
	[dreg:$0x2] =	wrdreg s3  }
0xa9: {  	[dreg:$0x3] =	wrdreg s5  }
0xaa: {  	[dreg:$0x4] =	wrdreg $0xC0  }
0xab: {  	_ =	task [dreg:s7], $0x5FFFF  }
0xac: {  	[dreg:$0x1] =	wrdreg $0xFFFFFFFF  }
0xad: {  	[dreg:$0x0] =	wrdreg $0x60  }
0xae: {  	[dreg:$0x2] =	wrdreg s24  }
0xaf: {  	[dreg:$0x3] =	wrdreg s2  }
0xb0: {  	[dreg:$0x4] =	wrdreg $0x9  }
0xb1: {  	_ =	task.clear_ibuf [dreg:s7], $0x5FFFF;
	_ =	strace $0x90000046  }
0xb2: {  	s29 =	simm.s32 $0x9;
	_ =	strace $0x80000048  }
0xb3: {  	_ =	swait.ge [sflag:s29], $0x1  }
0xb4: {  	[sflag:s29] =	ssyncadd.s32 $0xFFFFFFFF  }
0xb5: {  	_ =	strace $0x90000048  }
0xb6: {  	_ =	sfence  }
0xb7: {  	s30 =	sld [smem:$0x0];
	_ =	sdelay $0x2  }
0xb8: {  	s31 =	sshll.u32 s1, $0xD;
	s1 =	sshrl.u32 s1, $0x2  }
0xb9: {  	s3 =	sand.u32 $0x4000, s31;
	s1 =	sadd.s32 s1, s30  }
0xba: {  	s0 =	sor.u32 s3, s0;
	s1 =	sshll.u32 s1, $0x11  }
0xbb: {  	s0 =	sor.u32 s1, s0  }
0xbc: {  	s0 =	sadd.s32 $0x8F2B, s0  }
0xbd: {  	[sflag:s0] =	ssyncadd.remote.s32 $0x1  }
0xbe: {  	_ =	sfence.sel $0xFFFF  }
0xbf: {  	[dreg:$0x0] =	wrdreg $0xFFFFFFFF;
	(pc) =	sbr.abs _section_cstart, $3  }
0xc0: {  	[dreg:$0x1] =	wrdreg $0xFFFFFFFF  }
0xc1: {  	_ =	task.clear_ibuf [dreg:s7], $0x2FFFF;
	_ =	strace $0x9FFFFFFF  }
0xc2: {  	(tm) =	ssettm $0x7FFFFFFF  }
0xc3: {  	_ =	shalt  }
tec
execute0_lowered:
.L_overlay_start_1:
0x0: {  	(tag) =	ssettag $0x1  }
0x1: {  	s4 =	rddreg [dreg:$0x0]  }
0x2: {  	s7 =	rddreg [dreg:$0x1];
	s2 =	srdreg.scid  }
0x3: {  	s0 =	rddreg [dreg:$0x2];
	s1 =	stileid.u32;
	s10 =	simm.s32 $0x200  }
0x4: {  	s11 =	simm.s32 $0x400;
	s12 =	simm.s32 $0x8400;
	s13 =	simm.s32 $0x1  }
0x5: {  	s14 =	simm.s32 $0x2;
	s15 =	simm.s32 $0x10400;
	s16 =	simm.s32 $0x0  }
0x6: {  	s3 =	sand.u32 $0x1, s2;
	s2 =	simm.s32 $0x0;
	s5 =	sshll.u32 s1, $0x7  }
0x7: {  	vm0 =	vmmov $0x1;
	vm1 =	vmmov $0x3;
	vm2 =	vmmov $0x7;
	s6 =	sshll.u32 s3, $0x6;
	[smem:$0x7FF] =	sst s2;
	s31 =	ssub.s32 $0x2, s3  }
0x8: {  	vm3 =	vmmov $0xf;
	vm4 =	vmmov $0x1f;
	vm5 =	vmmov $0x3f;
	s3 =	sadd.s32 $0x189C00, s4;
	s8 =	sor.u32 s6, s5;
	_ =	strace $0x80000047  }
0x9: {  	vm6 =	vmmov $0x7f;
	vm7 =	vmmov $0xff;
	vm8 =	vmmov $0x1ff;
	s9 =	sshrl.u32 s31, $0x1;
	s6 =	sadd.s32 s8, s4;
	s4 =	sadd.s32 $0x24D200, s4  }
0xa: {  	vm9 =	vmmov $0x3ff;
	vm10 =	vmmov $0x7ff;
	vm11 =	vmmov $0xfff;
	s9 =	ssub.s32 s31, s9;
	s7 =	sadd.s32 s7, s8;
	s5 =	sadd.s32 $0x2A00, s6  }
0xb: {  	vm12 =	vmmov $0x1fff;
	vm13 =	vmmov $0x3fff;
	vm14 =	vmmov $0x7fff;
	s6 =	sadd.s32 $0x2200, s6;
	s8 =	smax.u32 s9, $0x1;
	s9 =	simm.s32 $0x3  }
.LBB2_1:
0xc: {  	[tilespmem:s2], [sflag:$0x3] =	stream.linear.gather [hbm4b:s5+s2], $0x200, $0x38;
	[tilespmem:$0x10600] =	vst v63  }
0xd: {  	_ =	swait.ge [sflag:s9], $0x200  }
0xe: {  	[sflag:s9] =	ssyncset.done $0x0  }
0xf: {  	[sflag:s9] =	ssyncadd.s32 $0xFFFFFE00  }
0x10: {  	[tilespmem:s10], [sflag:$0x3] =	stream.linear.gather [hbm4b:s6+s2], $0x200, $0x38;
	[tilespmem:$0x10600] =	vst v63  }
0x11: {  	_ =	swait.ge [sflag:s9], $0x200  }
0x12: {  	[sflag:s9] =	ssyncset.done $0x0  }
0x13: {  	[sflag:s9] =	ssyncadd.s32 $0xFFFFFE00  }
0x14: {  	[tilespmem:s11], [sflag:$0x1] =	stream.indirect.gather [hbm4b:s3+s10], $0x40, s2, s10, $0xb8;
	[tilespmem:$0x10600] =	vst v63  }
0x15: {  	_ = 	snop  }
0x16: {  	[tilespmem:s12], [sflag:$0x2] =	stream.indirect.gather [hbm4b:s4+s10], $0x40, s10, s10, $0xb8;
	[tilespmem:$0x10600] =	vst v63  }
0x17: {  	_ =	swait.ge [sflag:s13], $0x8000  }
0x18: {  	[sflag:s13] =	ssyncset.done $0x0  }
0x19: {  	[sflag:s13] =	ssyncadd.s32 $0xFFFF8000  }
0x1a: {  	_ =	swait.ge [sflag:s14], $0x8000  }
0x1b: {  	[sflag:s14] =	ssyncset.done $0x0  }
0x1c: {  	s17 =	simm.s32 $0x0;
	[sflag:s14] =	ssyncadd.s32 $0xFFFF8000  }
0x1d: {  	v20 =	vld [tilespmem:s17+$0x7B0]  }
0x1e: {  	v21 =	vld [tilespmem:s17+$0x87B0]  }
0x1f: {  	v0 =	vld [tilespmem:s17+$0x7C0]  }
0x20: {  	v51 =	vld [tilespmem:s17+$0x87C0]  }
0x21: {  	v52 =	vld [tilespmem:s17+$0x7D0]  }
0x22: {  	v53 =	vld [tilespmem:s17+$0x87D0]  }
0x23: {  	v22 =	vld [tilespmem:s17+$0x7A0]  }
0x24: {  	v23 =	vld [tilespmem:s17+$0x87A0]  }
0x25: {  	v24 =	vld [tilespmem:s17+$0x730]  }
0x26: {  	v25 =	vld [tilespmem:s17+$0x8730]  }
0x27: {  	v54 =	vld [tilespmem:s17+$0x760]  }
0x28: {  	v26 =	vld [tilespmem:s17+$0x780]  }
0x29: {  	v27 =	vld [tilespmem:s17+$0x8780]  }
0x2a: {  	v28 =	vld [tilespmem:s17+$0x790]  }
0x2b: {  	v29 =	vld [tilespmem:s17+$0x8790]  }
0x2c: {  	v55 =	vld [tilespmem:s17+$0x6F0]  }
0x2d: {  	v56 =	vld [tilespmem:s17+$0x86F0]  }
0x2e: {  	v32 =	vld [tilespmem:s17+$0x720]  }
0x2f: {  	v33 =	vld [tilespmem:s17+$0x8720]  }
0x30: {  	v57 =	vld [tilespmem:s17+$0x740]  }
0x31: {  	v58 =	vld [tilespmem:s17+$0x8740]  }
0x32: {  	v59 =	vld [tilespmem:s17+$0x750]  }
0x33: {  	v60 =	vld [tilespmem:s17+$0x8750]  }
0x34: {  	v34 =	vld [tilespmem:s17+$0x6E0]  }
0x35: {  	v35 =	vld [tilespmem:s17+$0x86E0]  }
0x36: {  	v36 =	vld [tilespmem:s17+$0x700]  }
0x37: {  	v37 =	vld [tilespmem:s17+$0x8700]  }
0x38: {  	v38 =	vld [tilespmem:s17+$0x710]  }
0x39: {  	v39 =	vld [tilespmem:s17+$0x8710]  }
0x3a: {  	v40 =	vld [tilespmem:s17+$0x670]  }
0x3b: {  	v41 =	vld [tilespmem:s17+$0x8670]  }
0x3c: {  	v61 =	vld [tilespmem:s17+$0x6A0]  }
0x3d: {  	v42 =	vld [tilespmem:s17+$0x6C0]  }
0x3e: {  	v43 =	vld [tilespmem:s17+$0x86C0]  }
0x3f: {  	v44 =	vld [tilespmem:s17+$0x6D0]  }
0x40: {  	v45 =	vld [tilespmem:s17+$0x86D0]  }
0x41: {  	v46 =	vld [tilespmem:s17+$0x630]  }
0x42: {  	v47 =	vld [tilespmem:s17+$0x8630]  }
0x43: {  	v48 =	vld [tilespmem:s17+$0x660]  }
0x44: {  	v49 =	vld [tilespmem:s17+$0x8660]  }
0x45: {  	v62 =	vld [tilespmem:s17+$0x680]  }
0x46: {  	v63 =	vld [tilespmem:s17+$0x8680]  }
0x47: {  	v4 =	vld [tilespmem:s17+$0x690]  }
0x48: {  	v5 =	vld [tilespmem:s17+$0x8690]  }
0x49: {  	v50 =	vld [tilespmem:s17+$0x620]  }
0x4a: {  	v6 =	vld [tilespmem:s17+$0x5E0]  }
0x4b: {  	v13 =	vld [tilespmem:s17+$0x5A0]  }
0x4c: {  	v10 =	vld [tilespmem:s17+$0x85A0]  }
0x4d: {  	v7 =	vld [tilespmem:s17+$0x5C0]  }
0x4e: {  	v8 =	vld [tilespmem:s17+$0x85C0]  }
0x4f: {  	v9 =	vld [tilespmem:s17+$0x5D0]  }
0x50: {  	v11 =	vld [tilespmem:s17+$0x85D0]  }
0x51: {  	v15 =	vld [tilespmem:s17+$0x560]  }
0x52: {  	v14 =	vld [tilespmem:s17+$0x8560]  }
0x53: {  	v3 =	vld [tilespmem:s17+$0x580]  }
0x54: {  	v2 =	vld [tilespmem:s17+$0x8580]  }
0x55: {  	v1 =	vld [tilespmem:s17+$0x590]  }
0x56: {  	v17 =	vld [tilespmem:s17+$0x4F0]  }
0x57: {  	v16 =	vld [tilespmem:s17+$0x84F0]  }
0x58: {  	v31 =	vld [tilespmem:s17+$0x4B0]  }
0x59: {  	v30 =	vld [tilespmem:s17+$0x84B0]  }
0x5a: {  	v19 =	vld [tilespmem:s17+$0x430]  }
0x5b: {  	v18 =	vld [tilespmem:s17+$0x8430]  }
0x5c: {  	v12 =	vld [tilespmem:s17+$0x4A0]  }
0x5d: {  	[tilespmem:$0x1FE70] =	vst v51;
	v51 =	vld [tilespmem:s17+$0x8620]  }
0x5e: {  	[tilespmem:$0x1FE80] =	vst v52;
	v52 =	vld [tilespmem:s17+$0x640]  }
0x5f: {  	[tilespmem:$0x1FE90] =	vst v53;
	v53 =	vld [tilespmem:s17+$0x8640]  }
0x60: {  	[tilespmem:$0x1FE50] =	vst v54;
	v54 =	vld [tilespmem:s17+$0x650]  }
0x61: {  	[tilespmem:$0x1FD00] =	vst v55;
	v55 =	vld [tilespmem:s17+$0x8650]  }
0x62: {  	[tilespmem:$0x1FD10] =	vst v56;
	v56 =	vld [tilespmem:s17+$0x5B0]  }
0x63: {  	[tilespmem:$0x1FE10] =	vst v57;
	v57 =	vld [tilespmem:s17+$0x85B0]  }
0x64: {  	[tilespmem:$0x1FE20] =	vst v58;
	v58 =	vld [tilespmem:s17+$0x600]  }
0x65: {  	[tilespmem:$0x1FE30] =	vst v59;
	v59 =	vld [tilespmem:s17+$0x8600]  }
0x66: {  	[tilespmem:$0x1FE40] =	vst v60;
	v60 =	vld [tilespmem:s17+$0x610]  }
0x67: {  	[tilespmem:$0x1FE00] =	vst v61;
	v61 =	vld [tilespmem:s17+$0x8610]  }
0x68: {  	[tilespmem:$0x1FDC0] =	vst v62;
	v62 =	vld [tilespmem:s17+$0x570]  }
0x69: {  	[tilespmem:$0x1FDD0] =	vst v63;
	v63 =	vld [tilespmem:s17+$0x8570]  }
0x6a: {  	[tilespmem:$0x1FE60] =	vst v0;
	v0 =	vld [tilespmem:s17+$0x8590]  }
0x6b: {  	[tilespmem:$0x1FDE0] =	vst v4;
	v4 =	vld [tilespmem:s17+$0x520]  }
0x6c: {  	[tilespmem:$0x1FD70] =	vst v7;
	v7 =	vld [tilespmem:s17+$0x540]  }
0x6d: {  	[tilespmem:$0x1FDB0] =	vst v6;
	v6 =	vld [tilespmem:s17+$0x8540]  }
0x6e: {  	[tilespmem:$0x1FDF0] =	vst v5;
	v5 =	vld [tilespmem:s17+$0x550]  }
0x6f: {  	[tilespmem:$0x1FD90] =	vst v9;
	v9 =	vld [tilespmem:s17+$0x4E0]  }
0x70: {  	[tilespmem:$0x1FD80] =	vst v8;
	v8 =	vld [tilespmem:s17+$0x84E0]  }
0x71: {  	[tilespmem:$0x1FDA0] =	vst v11;
	v11 =	vld [tilespmem:s17+$0x500]  }
0x72: {  	v26 =	vmul.f32 v27, v26;
	v27 =	vmul.f32 v29, v28;
	v28 =	vld [tilespmem:s17+$0x4C0]  }
0x73: {  	v29 =	vmul.f32 v37, v36;
	v37 =	vld [tilespmem:s17+$0x84C0]  }
0x74: {  	v22 =	vmul.f32 v23, v22;
	v23 =	vld [tilespmem:s17+$0x4D0]  }
0x75: {  	v24 =	vmul.f32 v25, v24;
	v25 =	vld [tilespmem:s17+$0x8420]  }
0x76: {  	v36 =	vmul.f32 v39, v38;
	v39 =	vld [tilespmem:$0x1FD70]  }
0x77: {  	v20 =	vmul.f32 v21, v20;
	v40 =	vmul.f32 v41, v40;
	v41 =	vld [tilespmem:$0x1FD90]  }
0x78: {  	v26 =	vadd.f32 v27, v26;
	v21 =	vadd.f32 v36, v29;
	v27 =	vmul.f32 v33, v32;
	v29 =	vld [tilespmem:s17+$0x84D0]  }
0x79: {  	v33 =	vld [tilespmem:s17+$0x420]  }
0x7a: {  	v21 =	vadd.f32 v27, v21;
	v27 =	vld [tilespmem:s17+$0x480]  }
0x7b: {  	[tilespmem:$0x1FD60] =	vst v4;
	v4 =	vld [tilespmem:s17+$0x8550]  }
0x7c: {  	[tilespmem:$0x1FD20] =	vst v11;
	v11 =	vld [tilespmem:s17+$0x8500]  }
0x7d: {  	v22 =	vadd.f32 v22, v26;
	v26 =	vmul.f32 v43, v42;
	v43 =	vmul.f32 v53, v52;
	v52 =	vld [tilespmem:s17+$0x490]  }
0x7e: {  	v53 =	vld [tilespmem:$0x1FD00]  }
0x7f: {  	v42 =	vmul.f32 v45, v44;
	v44 =	vmul.f32 v55, v54;
	v54 =	vld [tilespmem:$0x1FD10]  }
0x80: {  	v45 =	vmul.f32 v61, v60;
	v60 =	vld [tilespmem:s17+$0x8400]  }
0x81: {  	v61 =	vld [tilespmem:s17+$0x400]  }
0x82: {  	v55 =	vmul.f32 v49, v48;
	v48 =	vmul.f32 v14, v15;
	v14 =	vld [tilespmem:s17+$0x450]  }
0x83: {  	v49 =	vld [tilespmem:s17+$0x8450]  }
0x84: {  	v21 =	vadd.f32 v24, v21;
	v24 =	vld [tilespmem:s17+$0x8480]  }
0x85: {  	v20 =	vadd.f32 v20, v22;
	v22 =	vadd.f32 v42, v26;
	v42 =	vld [tilespmem:s17+$0x410]  }
0x86: {  	v15 =	vmul.f32 v63, v62;
	v62 =	vld [tilespmem:$0x1FD20]  }
0x87: {  	v26 =	vmul.f32 v35, v34;
	v35 =	vld [tilespmem:s17+$0x5F0]  }
0x88: {  	v36 =	vld [tilespmem:$0x1FD60]  }
0x89: {  	v32 =	vadd.f32 v44, v43;
	v43 =	vmul.f32 v10, v13;
	v44 =	vld [tilespmem:s17+$0x8410]  }
0x8a: {  	v13 =	vmul.f32 v29, v23;
	v23 =	vmul.f32 v57, v56;
	v56 =	vld [tilespmem:s17+$0x8520]  }
0x8b: {  	[tilespmem:$0x1FD30] =	vst v11;
	v11 =	vld [tilespmem:s17+$0x510]  }
0x8c: {  	v22 =	vadd.f32 v26, v22;
	v26 =	vmul.f32 v59, v58;
	v58 =	vld [tilespmem:s17+$0x8490]  }
0x8d: {  	v59 =	vmul.f32 v51, v50;
	v51 =	vmul.f32 v16, v17;
	v16 =	vld [tilespmem:s17+$0x8460]  }
0x8e: {  	v32 =	vadd.f32 v55, v32;
	v55 =	vmul.f32 v49, v14;
	v14 =	vld [tilespmem:s17+$0x8530]  }
0x8f: {  	v38 =	vmul.f32 v54, v53;
	v26 =	vadd.f32 v45, v26;
	v50 =	vmul.f32 v24, v27;
	v24 =	vld [tilespmem:s17+$0x460]  }
0x90: {  	v6 =	vmul.f32 v6, v7;
	v4 =	vmul.f32 v4, v5;
	v32 =	vadd.f32 v40, v32;
	[tilespmem:$0x1FD40] =	vst v11;
	v11 =	vld [tilespmem:s17+$0x8510]  }
0x91: {  	(xrf2) =	vadd.scan.msk.f32 $0xffff, v20;
	v40 =	vld [tilespmem:$0x1FD80];
	v38 =	vadd.f32 v38, v22;
	v22 =	vadd.f32 v59, v26;
	v26 =	vmul.f32 v47, v46  }
0x92: {  	(xrf2) =	vadd.scan.msk.f32 $0xffff, v21;
	v46 =	vld [tilespmem:s17+$0x440];
	v4 =	vadd.f32 v4, v6  }
0x93: {  	v2 =	vmul.f32 v2, v3;
	v0 =	vmul.f32 v0, v1;
	v45 =	vadd.f32 v26, v22;
	v22 =	vld [tilespmem:s17+$0x8440];
	(xrf2) =	vadd.scan.msk.f32 $0xffff, v38  }
0x94: {  	v4 =	vadd.f32 v48, v4;
	(xrf2) =	vadd.scan.msk.f32 $0xffff, v32;
	v32 =	vld [tilespmem:$0x1FD40]  }
0x95: {  	v0 =	vadd.f32 v0, v2;
	[tilespmem:$0x1FD50] =	vst v11;
	v11 =	vld [tilespmem:s17+$0x84A0]  }
0x96: {  	v47 =	vmul.f32 v37, v28;
	v4 =	vadd.f32 v15, v4;
	v15 =	vld [tilespmem:$0x1FD50]  }
0x97: {  	v0 =	vadd.f32 v43, v0;
	v37 =	vld [tilespmem:s17+$0x85F0]  }
0x98: {  	v10 =	vmul.f32 v44, v42;
	v42 =	vld [tilespmem:$0x1FDA0];
	v2 =	vadd.f32 v13, v47;
	v13 =	vmul.f32 v58, v52  }
0x99: {  	v1 =	vmul.f32 v60, v61;
	v0 =	vadd.f32 v23, v0;
	v47 =	vld [tilespmem:$0x1FDB0]  }
0x9a: {  	v6 =	vadd.f32 v13, v50;
	v13 =	vld [tilespmem:s17+$0x530];
	v54 =	vmul.f32 v22, v46;
	v11 =	vmul.f32 v11, v12  }
0x9b: {  	v1 =	vadd.f32 v10, v1;
	v58 =	vmul.f32 v25, v33;
	v10 =	vmul.f32 v15, v32;
	v15 =	vld [tilespmem:s17+$0x85E0]  }
0x9c: {  	v52 =	vld [tilespmem:s17+$0x8470];
	(xrf2) =	vadd.scan.msk.f32 $0xffff, v45;
	v60 =	vmul.f32 v16, v24;
	v53 =	vadd.f32 v11, v6;
	v6 =	vadd.f32 v55, v54  }
0x9d: {  	v61 =	vadd.f32 v58, v1;
	(xrf2) =	vadd.scan.msk.f32 $0xffff, v0;
	v12 =	vld [tilespmem:s17+$0x470]  }
0x9e: {  	v58 =	vld [tilespmem:$0x1FE10];
	(xrf2) =	vadd.scan.msk.f32 $0xffff, v4;
	v4 =	vmul.f32 v40, v39;
	v33 =	vadd.f32 v60, v6;
	v6 =	vmul.f32 v42, v41  }
0x9f: {  	v45 =	vmul.f32 v14, v13;
	v14 =	vld [tilespmem:$0x1FE20]  }
0xa0: {  	v17 =	vld [tilespmem:$0x1FE70];
	v4 =	vadd.f32 v6, v4;
	v6 =	vmul.f32 v15, v47  }
0xa1: {  	v63 =	vld [tilespmem:$0x1FD30]  }
0xa2: {  	v5 =	vmul.f32 v37, v35;
	v34 =	vmul.f32 v52, v12;
	v52 =	vld [tilespmem:$0x1FDE0];
	v4 =	vadd.f32 v6, v4  }
0xa3: {  	v15 =	vld [tilespmem:$0x1FE40]  }
0xa4: {  	v4 =	vadd.f32 v5, v4;
	v5 =	vmul.f32 v14, v58;
	v14 =	vld [tilespmem:$0x1FE30]  }
0xa5: {  	v8 =	vmul.f32 v8, v9;
	v12 =	vld [tilespmem:$0x1FDF0]  }
0xa6: {  	v43 =	vld [tilespmem:s17+$0x86A0]  }
0xa7: {  	v48 =	vld [tilespmem:s17+$0x86B0];
	v2 =	vadd.f32 v8, v2  }
0xa8: {  	v57 =	vmul.f32 v30, v31;
	v50 =	vld [tilespmem:$0x1FDC0]  }
0xa9: {  	v59 =	vmul.f32 v18, v19;
	v2 =	vadd.f32 v51, v2;
	v51 =	vld [tilespmem:$0x1FDD0];
	v14 =	vmul.f32 v15, v14  }
0xaa: {  	v1 =	vmul.f32 v63, v62;
	v11 =	vmul.f32 v12, v52;
	v12 =	vld [tilespmem:s17+$0x8760]  }
0xab: {  	v3 =	vadd.f32 v57, v53;
	v5 =	vadd.f32 v14, v5;
	v14 =	vld [tilespmem:$0x1FE50]  }
0xac: {  	v0 =	vadd.f32 v59, v61;
	(xrf2) =	vadd.scan.msk.f32 $0xffff, v2;
	v2 =	vmul.f32 v56, v36;
	v55 =	vld [tilespmem:$0x1FE00];
	v1 =	vadd.f32 v10, v1  }
0xad: {  	v62 =	vld [tilespmem:$0x1FE60];
	(xrf2) =	vadd.scan.msk.f32 $0xffff, v3;
	v38 =	vadd.f32 v34, v33  }
0xae: {  	v46 =	vld [tilespmem:s17+$0x6B0];
	v44 =	vadd.f32 v2, v1;
	(xrf2) =	vadd.scan.msk.f32 $0xffff, v0  }
0xaf: {  	v63 =	vld [tilespmem:$0x1FE80];
	v9, _, _ =	vpop (xrf2);
	v1 =	vmul.f32 v51, v50;
	(xrf2) =	vadd.scan.msk.f32 $0xffff, v38  }
0xb0: {  	v49, _, _ =	vpop (xrf2);
	v56 =	vld [tilespmem:s17+$0x8770];
	v0 =	vadd.f32 v45, v44;
	v12 =	vmul.f32 v12, v14  }
0xb1: {  	v13, _, _ =	vpop (xrf2);
	v53 =	vld [tilespmem:s17+$0x770];
	v8 =	vmul.f32 v43, v55;
	v1 =	vadd.f32 v11, v1  }
0xb2: {  	v54, _, _ =	vpop (xrf2);
	(xrf2) =	vadd.scan.msk.f32 $0xffff, v0;
	v5 =	vadd.f32 v12, v5;
	v12 =	vld [tilespmem:$0x1FE90]  }
0xb3: {  	v59 =	vld [tilespmem:s17+$0x87E0];
	v57, _, _ =	vpop (xrf2);
	v2 =	vmul.f32 v48, v46;
	v1 =	vadd.f32 v8, v1  }
0xb4: {  	v16, _, _ =	vpop (xrf2);
	v15 =	vld [tilespmem:s17+$0x7E0]  }
0xb5: {  	v60, _, _ =	vpop (xrf2);
	(xrf2) =	vadd.scan.msk.f32 $0xffff, v4;
	v1 =	vadd.f32 v2, v1;
	v2 =	vmul.f32 v17, v62;
	v17 =	vld [tilespmem:s17+$0x87F0]  }
0xb6: {  	v61, _, _ =	vpop (xrf2);
	v14 =	vld [tilespmem:s17+$0x7F0]  }
0xb7: {  	v6 =	vmul.f32 v56, v53;
	v18, _, _ =	vpop (xrf2);
	v11 =	vmul.f32 v12, v63  }
0xb8: {  	(xrf2) =	vadd.scan.msk.f32 $0xffff, v1;
	v12, _, _ =	vpop (xrf2)  }
0xb9: {  	v33 =	vmul.f32 v59, v15;
	v32 =	vadd.f32 v6, v5;
	v34, _, _ =	vpop (xrf2);
	v2 =	vadd.f32 v11, v2  }
0xba: {  	v35 =	vbroadcast v12, $0xF;
	v6 =	vbroadcast v34, $0xF  }
0xbb: {  	v36 =	vbroadcast v18, $0xF;
	v37 =	vmul.f32 v17, v14;
	(xrf2) =	vadd.scan.msk.f32 $0xffff, v32;
	v2 =	vadd.f32 v33, v2  }
0xbc: {  	v4 =	vbroadcast v61, $0xF;
	v39, _, _ =	vpop (xrf2);
	v38 =	vsel vm0, v35, v6  }
0xbd: {  	v6 =	vbroadcast v39, $0xF;
	v1 =	vsel vm1, v38, v36;
	v2 =	vadd.f32 v37, v2  }
0xbe: {  	v40 =	vbroadcast v60, $0xF;
	v1 =	vsel vm2, v1, v4  }
0xbf: {  	v41 =	vbroadcast v16, $0xF;
	v42, _, _ =	vpop (xrf2);
	v1 =	vsel vm3, v1, v6;
	(xrf2) =	vadd.scan.msk.f32 $0xffff, v2  }
0xc0: {  	v43 =	vbroadcast v42, $0xF;
	v1 =	vsel vm4, v1, v40  }
0xc1: {  	v0 =	vbroadcast v57, $0xF;
	v1 =	vsel vm5, v1, v41  }
0xc2: {  	v44 =	vbroadcast v54, $0xF;
	v45, _, _ =	vpop (xrf2);
	v1 =	vsel vm6, v1, v43  }
0xc3: {  	v46 =	vbroadcast v45, $0xF;
	v0 =	vsel vm7, v1, v0  }
0xc4: {  	v47 =	vbroadcast v13, $0xF;
	v0 =	vsel vm8, v0, v44  }
0xc5: {  	v48 =	vbroadcast v49, $0xF;
	v49, _, _ =	vpop (xrf2);
	v0 =	vsel vm9, v0, v46  }
0xc6: {  	v50 =	vbroadcast v49, $0xF;
	v0 =	vsel vm10, v0, v47  }
0xc7: {  	v51 =	vbroadcast v9, $0xF;
	v0 =	vsel vm11, v0, v48  }
0xc8: {  	v0 =	vsel vm12, v0, v50  }
0xc9: {  	v0 =	vsel vm13, v0, v51;
	v52, _, _ =	vpop (xrf2)  }
0xca: {  	v0 =	vsel vm14, v0, v52  }
0xcb: {  	v0 =	vmul.f32 $1.442695020e+00, v0;
	_ =	sdelay $0x1  }
0xcc: {  	(erf) = vpow2.f32 v0;
	_ =	sdelay $0x8  }
0xcd: {  	v0 =	vpop (erf)  }
0xce: {  	v0 =	vadd.f32 $1.000000000e+00, v0;
	_ =	sdelay $0x1  }
0xcf: {  	(erf) = vrcp.f32 v0;
	_ =	sdelay $0x8  }
0xd0: {  	v0 =	vpop (erf)  }
0xd1: {  	s17 =	simm.s32 $0x400;
	[tilespmem:s15+$0x0] =	vst v0  }
0xd2: {  	v6 =	vld [tilespmem:s17+$0x7B0]  }
0xd3: {  	v9 =	vld [tilespmem:s17+$0x87B0]  }
0xd4: {  	v0 =	vld [tilespmem:s17+$0x7C0]  }
0xd5: {  	v53 =	vld [tilespmem:s17+$0x87C0]  }
0xd6: {  	v54 =	vld [tilespmem:s17+$0x7D0]  }
0xd7: {  	v55 =	vld [tilespmem:s17+$0x87D0]  }
0xd8: {  	v56 =	vld [tilespmem:s17+$0x7A0]  }
0xd9: {  	v31 =	vld [tilespmem:s17+$0x87A0]  }
0xda: {  	v11 =	vld [tilespmem:s17+$0x730]  }
0xdb: {  	v12 =	vld [tilespmem:s17+$0x8730]  }
0xdc: {  	v57 =	vld [tilespmem:s17+$0x760]  }
0xdd: {  	v26 =	vld [tilespmem:s17+$0x780]  }
0xde: {  	v32 =	vld [tilespmem:s17+$0x8780]  }
0xdf: {  	v33 =	vld [tilespmem:s17+$0x790]  }
0xe0: {  	v34 =	vld [tilespmem:s17+$0x8790]  }
0xe1: {  	v14 =	vld [tilespmem:s17+$0x6F0]  }
0xe2: {  	v23 =	vld [tilespmem:s17+$0x86F0]  }
0xe3: {  	v58 =	vld [tilespmem:s17+$0x720]  }
0xe4: {  	v63 =	vld [tilespmem:s17+$0x8720]  }
0xe5: {  	v59 =	vld [tilespmem:s17+$0x740]  }
0xe6: {  	v60 =	vld [tilespmem:s17+$0x8740]  }
0xe7: {  	v61 =	vld [tilespmem:s17+$0x750]  }
0xe8: {  	v62 =	vld [tilespmem:s17+$0x8750]  }
0xe9: {  	v36 =	vld [tilespmem:s17+$0x6E0]  }
0xea: {  	v35 =	vld [tilespmem:s17+$0x86E0]  }
0xeb: {  	v43 =	vld [tilespmem:s17+$0x700]  }
0xec: {  	v44 =	vld [tilespmem:s17+$0x8700]  }
0xed: {  	v45 =	vld [tilespmem:s17+$0x710]  }
0xee: {  	v46 =	vld [tilespmem:s17+$0x8710]  }
0xef: {  	v5 =	vld [tilespmem:s17+$0x670]  }
0xf0: {  	v7 =	vld [tilespmem:s17+$0x8670]  }
0xf1: {  	v4 =	vld [tilespmem:s17+$0x6A0]  }
0xf2: {  	v49 =	vld [tilespmem:s17+$0x6C0]  }
0xf3: {  	v1 =	vld [tilespmem:s17+$0x86C0]  }
0xf4: {  	v2 =	vld [tilespmem:s17+$0x6D0]  }
0xf5: {  	v52 =	vld [tilespmem:s17+$0x86D0]  }
0xf6: {  	v3 =	vld [tilespmem:s17+$0x630]  }
0xf7: {  	v8 =	vld [tilespmem:s17+$0x680]  }
0xf8: {  	v10 =	vld [tilespmem:s17+$0x8680]  }
0xf9: {  	v37 =	vld [tilespmem:s17+$0x690]  }
0xfa: {  	v38 =	vld [tilespmem:s17+$0x8690]  }
0xfb: {  	v50 =	vld [tilespmem:s17+$0x620]  }
0xfc: {  	v39 =	vld [tilespmem:s17+$0x8620]  }
0xfd: {  	v13 =	vld [tilespmem:s17+$0x5B0]  }
0xfe: {  	v20 =	vld [tilespmem:s17+$0x85B0]  }
0xff: {  	v40 =	vld [tilespmem:s17+$0x5E0]  }
0x100: {  	v48 =	vld [tilespmem:s17+$0x8600]  }
0x101: {  	v47 =	vld [tilespmem:s17+$0x8610]  }
0x102: {  	v15 =	vld [tilespmem:s17+$0x5C0]  }
0x103: {  	v16 =	vld [tilespmem:s17+$0x85C0]  }
0x104: {  	v17 =	vld [tilespmem:s17+$0x5D0]  }
0x105: {  	v18 =	vld [tilespmem:s17+$0x85D0]  }
0x106: {  	v41 =	vld [tilespmem:s17+$0x560]  }
0x107: {  	v42 =	vld [tilespmem:s17+$0x8560]  }
0x108: {  	v22 =	vld [tilespmem:s17+$0x8580]  }
0x109: {  	v21 =	vld [tilespmem:s17+$0x8590]  }
0x10a: {  	v29 =	vld [tilespmem:s17+$0x4F0]  }
0x10b: {  	v30 =	vld [tilespmem:s17+$0x84F0]  }
0x10c: {  	v19 =	vld [tilespmem:s17+$0x520]  }
0x10d: {  	v27 =	vld [tilespmem:s17+$0x4B0]  }
0x10e: {  	v28 =	vld [tilespmem:s17+$0x84B0]  }
0x10f: {  	v51 =	vld [tilespmem:s17+$0x4E0]  }
0x110: {  	v24 =	vld [tilespmem:s17+$0x8500]  }
0x111: {  	v25 =	vld [tilespmem:s17+$0x510]  }
0x112: {  	[tilespmem:$0x1FF30] =	vst v4;
	v4 =	vld [tilespmem:s17+$0x8630]  }
0x113: {  	[tilespmem:$0x1FFA0] =	vst v58;
	v58 =	vld [tilespmem:s17+$0x660]  }
0x114: {  	[tilespmem:$0x1FEE0] =	vst v57;
	v57 =	vld [tilespmem:s17+$0x8660]  }
0x115: {  	[tilespmem:$0x1FEF0] =	vst v59;
	v59 =	vld [tilespmem:s17+$0x640]  }
0x116: {  	[tilespmem:$0x1FF00] =	vst v60;
	v60 =	vld [tilespmem:s17+$0x8640]  }
0x117: {  	[tilespmem:$0x1FF10] =	vst v61;
	v61 =	vld [tilespmem:s17+$0x650]  }
0x118: {  	[tilespmem:$0x1FF20] =	vst v62;
	v62 =	vld [tilespmem:s17+$0x8650]  }
0x119: {  	[tilespmem:$0x1FEC0] =	vst v54;
	v54 =	vld [tilespmem:s17+$0x600]  }
0x11a: {  	[tilespmem:$0x1FEB0] =	vst v53;
	v53 =	vld [tilespmem:s17+$0x610]  }
0x11b: {  	[tilespmem:$0x1FF40] =	vst v8;
	v8 =	vld [tilespmem:s17+$0x570]  }
0x11c: {  	[tilespmem:$0x1FF50] =	vst v10;
	v10 =	vld [tilespmem:s17+$0x8570]  }
0x11d: {  	[tilespmem:$0x1FF90] =	vst v56;
	v56 =	vld [tilespmem:s17+$0x5A0]  }
0x11e: {  	[tilespmem:$0x1FED0] =	vst v55;
	v55 =	vld [tilespmem:s17+$0x85A0]  }
0x11f: {  	[tilespmem:$0x1FF70] =	vst v38;
	v38 =	vld [tilespmem:s17+$0x580]  }
0x120: {  	[tilespmem:$0x1FF60] =	vst v37;
	v37 =	vld [tilespmem:s17+$0x590]  }
0x121: {  	[tilespmem:$0x1FFD0] =	vst v42;
	v42 =	vld [tilespmem:s17+$0x540]  }
0x122: {  	[tilespmem:$0x1FF80] =	vst v40;
	v40 =	vld [tilespmem:s17+$0x8540]  }
0x123: {  	[tilespmem:$0x1FFC0] =	vst v41;
	v41 =	vld [tilespmem:s17+$0x550]  }
0x124: {  	[tilespmem:$0x1FFB0] =	vst v39;
	v39 =	vld [tilespmem:s17+$0x8550]  }
0x125: {  	[tilespmem:$0x1FFE0] =	vst v51;
	v51 =	vld [tilespmem:s17+$0x84E0]  }
0x126: {  	v32 =	vmul.f32 v32, v26;
	v26 =	vld [tilespmem:s17+$0x8510];
	v43 =	vmul.f32 v44, v43  }
0x127: {  	v44 =	vmul.f32 v46, v45;
	v45 =	vmul.f32 v1, v49;
	v49 =	vld [tilespmem:s17+$0x4D0]  }
0x128: {  	v1 =	vld [tilespmem:s17+$0x480]  }
0x129: {  	v33 =	vmul.f32 v34, v33;
	v34 =	vld [tilespmem:$0x1FF90]  }
0x12a: {  	v46 =	vmul.f32 v52, v2;
	v52 =	vld [tilespmem:$0x1FFA0]  }
0x12b: {  	v5 =	vmul.f32 v7, v5;
	v7 =	vld [tilespmem:$0x1FFB0]  }
0x12c: {  	[tilespmem:$0x1FEA0] =	vst v0;
	v0 =	vadd.f32 v33, v32;
	v32 =	vld [tilespmem:s17+$0x8430]  }
0x12d: {  	v33 =	vld [tilespmem:s17+$0x4A0]  }
0x12e: {  	v45 =	vadd.f32 v46, v45;
	v46 =	vld [tilespmem:s17+$0x4C0]  }
0x12f: {  	v43 =	vadd.f32 v44, v43;
	v44 =	vld [tilespmem:s17+$0x84C0]  }
0x130: {  	v6 =	vmul.f32 v9, v6;
	v35 =	vmul.f32 v35, v36;
	[tilespmem:$0x1FFF0] =	vst v51;
	v51 =	vld [tilespmem:s17+$0x500]  }
0x131: {  	v21 =	vmul.f32 v21, v37;
	v37 =	vld [tilespmem:s17+$0x8400];
	v34 =	vmul.f32 v31, v34  }
0x132: {  	v22 =	vmul.f32 v22, v38;
	v38 =	vld [tilespmem:s17+$0x400];
	v2 =	vmul.f32 v63, v52  }
0x133: {  	v11 =	vmul.f32 v12, v11;
	v39 =	vmul.f32 v39, v41;
	v41 =	vld [tilespmem:s17+$0x8410];
	v0 =	vadd.f32 v34, v0  }
0x134: {  	v35 =	vadd.f32 v35, v45;
	v40 =	vmul.f32 v40, v42;
	v31 =	vld [tilespmem:s17+$0x430];
	v9 =	vadd.f32 v2, v43  }
0x135: {  	v52 =	vmul.f32 v23, v14;
	v63 =	vmul.f32 v57, v58;
	v57 =	vld [tilespmem:$0x1FFC0];
	v0 =	vadd.f32 v6, v0  }
0x136: {  	v58 =	vld [tilespmem:$0x1FFD0];
	v36 =	vadd.f32 v11, v9  }
0x137: {  	v40 =	vadd.f32 v39, v40;
	v39 =	vld [tilespmem:s17+$0x410];
	v45 =	vadd.f32 v52, v35;
	(xrf2) =	vadd.scan.msk.f32 $0xffff, v0  }
0x138: {  	v60 =	vmul.f32 v60, v59;
	v62 =	vmul.f32 v62, v61;
	v34 =	vld [tilespmem:s17+$0x84A0];
	(xrf2) =	vadd.scan.msk.f32 $0xffff, v36  }
0x139: {  	v48 =	vmul.f32 v48, v54;
	v47 =	vmul.f32 v47, v53;
	v43 =	vld [tilespmem:s17+$0x84D0];
	(xrf2) =	vadd.scan.msk.f32 $0xffff, v45  }
0x13a: {  	v21 =	vadd.f32 v21, v22;
	v52 =	vld [tilespmem:s17+$0x8480]  }
0x13b: {  	v22 =	vmul.f32 v55, v56;
	v6 =	vadd.f32 v47, v48;
	v48 =	vld [tilespmem:s17+$0x490];
	v0 =	vadd.f32 v62, v60  }
0x13c: {  	v9 =	vmul.f32 v7, v50;
	v11 =	vld [tilespmem:s17+$0x8490]  }
0x13d: {  	v21 =	vadd.f32 v22, v21;
	v22 =	vmul.f32 v20, v13;
	v62 =	vld [tilespmem:$0x1FFE0];
	v0 =	vadd.f32 v63, v0  }
0x13e: {  	v56 =	vmul.f32 v4, v3;
	v55 =	vadd.f32 v9, v6;
	v63 =	vld [tilespmem:$0x1FFF0]  }
0x13f: {  	v35 =	vld [tilespmem:s17+$0x420];
	v59 =	vmul.f32 v58, v57;
	v22 =	vadd.f32 v22, v21;
	v0 =	vadd.f32 v5, v0  }
0x140: {  	v44 =	vmul.f32 v44, v46;
	v36 =	vld [tilespmem:s17+$0x8420];
	v43 =	vmul.f32 v43, v49;
	v42 =	vadd.f32 v56, v55  }
0x141: {  	v61 =	vmul.f32 v10, v8;
	v60 =	vadd.f32 v59, v40;
	v40 =	vld [tilespmem:s17+$0x440];
	(xrf2) =	vadd.scan.msk.f32 $0xffff, v0;
	v54, _, _ =	vpop (xrf2)  }
0x142: {  	v47 =	vmul.f32 v52, v1;
	v45 =	vadd.f32 v43, v44;
	v43 =	vld [tilespmem:s17+$0x450];
	(xrf2) =	vadd.scan.msk.f32 $0xffff, v42;
	v21, _, _ =	vpop (xrf2)  }
0x143: {  	s19 =	simm.s32 $0x2000;
	s18 =	simm.s32 $0x10400;
	v48 =	vmul.f32 v11, v48;
	v44 =	vadd.f32 v61, v60;
	v46 =	vmul.f32 v63, v62;
	v42 =	vld [tilespmem:s17+$0x8440];
	(xrf2) =	vadd.scan.msk.f32 $0xffff, v22;
	v22, _, _ =	vpop (xrf2)  }
.LBB2_2:
0x144: {  	v49 =	vld [tilespmem:s17+$0x8450]  }
0x145: {  	v9 =	vld [tilespmem:s17+$0x8460]  }
0x146: {  	v10 =	vld [tilespmem:s17+$0x470]  }
0x147: {  	v50 =	vld [tilespmem:s17+$0x8530]  }
0x148: {  	v15 =	vmul.f32 v16, v15;
	v16 =	vmul.f32 v18, v17;
	v17 =	vld [tilespmem:s17+$0x86A0]  }
0x149: {  	v52 =	vld [tilespmem:$0x1FF40]  }
0x14a: {  	v1 =	vld [tilespmem:$0x1FF50]  }
0x14b: {  	v53 =	vld [tilespmem:$0x1FF60]  }
0x14c: {  	v55 =	vld [tilespmem:$0x1FF70]  }
0x14d: {  	v12 =	vld [tilespmem:s17+$0x8760]  }
0x14e: {  	v56 =	vld [tilespmem:$0x1FF30]  }
0x14f: {  	v57 =	vld [tilespmem:s17+$0x8770]  }
0x150: {  	v58 =	vld [tilespmem:$0x1FEF0]  }
0x151: {  	v59 =	vld [tilespmem:$0x1FF00]  }
0x152: {  	v60 =	vld [tilespmem:$0x1FF10]  }
0x153: {  	v61 =	vld [tilespmem:$0x1FF20]  }
0x154: {  	v62 =	vld [tilespmem:$0x1FEE0];
	v45 =	vadd.f32 v46, v45;
	v0 =	vmul.f32 v30, v29;
	v33 =	vmul.f32 v34, v33  }
0x155: {  	v6 =	vadd.f32 v48, v47;
	v30 =	vld [tilespmem:s17+$0x460];
	v7 =	vmul.f32 v37, v38;
	v8 =	vmul.f32 v41, v39  }
0x156: {  	(xrf2) =	vadd.scan.msk.f32 $0xffff, v44;
	v47 =	vld [tilespmem:s17+$0x8520];
	v15 =	vadd.f32 v16, v15;
	v27 =	vmul.f32 v28, v27;
	v11 =	vmul.f32 v36, v35  }
0x157: {  	v44 =	vld [tilespmem:s17+$0x8470];
	v31 =	vmul.f32 v32, v31;
	v0 =	vadd.f32 v0, v45;
	v33 =	vadd.f32 v33, v6  }
0x158: {  	v48 =	vld [tilespmem:s17+$0x530];
	v46 =	vmul.f32 v49, v43;
	v28 =	vadd.f32 v8, v7;
	v45 =	vmul.f32 v42, v40  }
0x159: {  	v16 =	vld [tilespmem:s17+$0x86B0];
	v23 =	vmul.f32 v24, v51;
	v24 =	vmul.f32 v26, v25;
	v29, _, _ =	vpop (xrf2);
	(xrf2) =	vadd.scan.msk.f32 $0xffff, v0;
	v27 =	vadd.f32 v27, v33  }
0x15a: {  	v25 =	vld [tilespmem:s17+$0x85E0];
	v28 =	vadd.f32 v11, v28;
	v49 =	vadd.f32 v46, v45;
	v30 =	vmul.f32 v9, v30  }
0x15b: {  	v51 =	vld [tilespmem:$0x1FF80];
	v23 =	vadd.f32 v24, v23;
	v20 =	vmul.f32 v47, v19  }
0x15c: {  	v24 =	vld [tilespmem:s17+$0x85F0];
	v39, _, _ =	vpop (xrf2);
	(xrf2) =	vadd.scan.msk.f32 $0xffff, v27;
	v27 =	vadd.f32 v31, v28;
	v28 =	vadd.f32 v30, v49;
	v30 =	vmul.f32 v44, v10  }
0x15d: {  	v31 =	vld [tilespmem:s17+$0x5F0]  }
0x15e: {  	v32 =	vld [tilespmem:$0x1FEB0];
	v20 =	vadd.f32 v20, v23;
	v23 =	vmul.f32 v50, v48;
	v26, _, _ =	vpop (xrf2);
	(xrf2) =	vadd.scan.msk.f32 $0xffff, v27;
	v27 =	vadd.f32 v30, v28  }
0x15f: {  	v35 =	vld [tilespmem:$0x1FEC0];
	v11 =	vmul.f32 v55, v53;
	v10 =	vmul.f32 v1, v52  }
0x160: {  	v14 =	vmul.f32 v25, v51;
	v18, _, _ =	vpop (xrf2);
	v28 =	vld [tilespmem:s17+$0x6B0];
	(xrf2) =	vadd.scan.msk.f32 $0xffff, v27  }
0x161: {  	v36 =	vld [tilespmem:$0x1FED0];
	v9 =	vmul.f32 v17, v56;
	v20 =	vadd.f32 v23, v20;
	v10 =	vadd.f32 v11, v10  }
0x162: {  	v23 =	vld [tilespmem:s17+$0x770];
	v14 =	vadd.f32 v14, v15;
	v15 =	vmul.f32 v24, v31  }
0x163: {  	v9 =	vadd.f32 v9, v10;
	v10 =	vld [tilespmem:$0x1FEA0];
	v13, _, _ =	vpop (xrf2);
	(xrf2) =	vadd.scan.msk.f32 $0xffff, v20  }
0x164: {  	v5 =	vmul.f32 v59, v58;
	v6 =	vmul.f32 v61, v60;
	v7 =	vld [tilespmem:s17+$0x7E0];
	v14 =	vadd.f32 v15, v14  }
0x165: {  	v15 =	vld [tilespmem:s17+$0x87E0];
	v16 =	vmul.f32 v16, v28  }
0x166: {  	v63 =	vld [tilespmem:s17+$0x7F0];
	v4 =	vmul.f32 v12, v62;
	v5 =	vadd.f32 v6, v5;
	v8, _, _ =	vpop (xrf2);
	(xrf2) =	vadd.scan.msk.f32 $0xffff, v14  }
0x167: {  	v3 =	vld [tilespmem:s17+$0x87F0];
	v0 =	vmul.f32 v36, v35;
	v9 =	vadd.f32 v16, v9  }
0x168: {  	v12 =	vadd.f32 v4, v5;
	v34 =	vmul.f32 v57, v23;
	v2 =	vmul.f32 v32, v10  }
0x169: {  	v33, _, _ =	vpop (xrf2);
	(xrf2) =	vadd.scan.msk.f32 $0xffff, v9  }
0x16a: {  	v37 =	vadd.f32 v34, v12;
	v0 =	vadd.f32 v0, v2;
	v38 =	vmul.f32 v15, v7;
	v40, _, _ =	vpop (xrf2)  }
0x16b: {  	v41 =	vbroadcast v33, $0xF;
	v42 =	vbroadcast v40, $0xF  }
0x16c: {  	v44 =	vmul.f32 v3, v63;
	v43 =	vbroadcast v8, $0xF;
	v0 =	vadd.f32 v38, v0;
	(xrf2) =	vadd.scan.msk.f32 $0xffff, v37  }
0x16d: {  	v46 =	vbroadcast v13, $0xF;
	v45 =	vsel vm0, v41, v42;
	v47, _, _ =	vpop (xrf2)  }
0x16e: {  	v0 =	vadd.f32 v44, v0;
	v1 =	vsel vm1, v45, v43;
	v48 =	vbroadcast v47, $0xF  }
0x16f: {  	v49 =	vbroadcast v18, $0xF;
	v1 =	vsel vm2, v1, v46  }
0x170: {  	v50 =	vbroadcast v26, $0xF;
	v51, _, _ =	vpop (xrf2);
	(xrf2) =	vadd.scan.msk.f32 $0xffff, v0;
	v1 =	vsel vm3, v1, v48  }
0x171: {  	v53 =	vbroadcast v51, $0xF;
	v52 =	vsel vm4, v1, v49  }
0x172: {  	v55 =	vbroadcast v39, $0xF;
	v0 =	vsel vm5, v52, v50  }
0x173: {  	v56 =	vbroadcast v29, $0xF;
	v57, _, _ =	vpop (xrf2);
	v0 =	vsel vm6, v0, v53  }
0x174: {  	v58 =	vbroadcast v57, $0xF;
	v0 =	vsel vm7, v0, v55  }
0x175: {  	v59 =	vbroadcast v22, $0xF;
	v0 =	vsel vm8, v0, v56  }
0x176: {  	v60 =	vbroadcast v21, $0xF;
	v61, _, _ =	vpop (xrf2);
	v0 =	vsel vm9, v0, v58  }
0x177: {  	v3 =	vbroadcast v61, $0xF;
	v0 =	vsel vm10, v0, v59  }
0x178: {  	v62 =	vbroadcast v54, $0xF;
	v0 =	vsel vm11, v0, v60  }
0x179: {  	v0 =	vsel vm12, v0, v3  }
0x17a: {  	v63, _, _ =	vpop (xrf2);
	v0 =	vsel vm13, v0, v62  }
0x17b: {  	v0 =	vsel vm14, v0, v63  }
0x17c: {  	v0 =	vmul.f32 $1.442695020e+00, v0;
	_ =	sdelay $0x1  }
0x17d: {  	(erf) = vpow2.f32 v0;
	_ =	sdelay $0x8  }
0x17e: {  	v0 =	vpop (erf)  }
0x17f: {  	v0 =	vadd.f32 $1.000000000e+00, v0;
	_ =	sdelay $0x1  }
0x180: {  	(erf) = vrcp.f32 v0;
	_ =	sdelay $0x8  }
0x181: {  	s18 =	sadd.s32 $0x10, s18;
	v0 =	vpop (erf)  }
0x182: {  	s17 =	sshra.s32 s19, $0x2;
	[tilespmem:s18+$0x0] =	vst v0  }
0x183: {  	v0 =	vld [tilespmem:s17+$0x7B0]  }
0x184: {  	v21 =	vld [tilespmem:s17+$0x87B0]  }
0x185: {  	v4 =	vld [tilespmem:s17+$0x7C0]  }
0x186: {  	v5 =	vld [tilespmem:s17+$0x87C0]  }
0x187: {  	v6 =	vld [tilespmem:s17+$0x7D0]  }
0x188: {  	v7 =	vld [tilespmem:s17+$0x87D0]  }
0x189: {  	v26 =	vld [tilespmem:s17+$0x7A0]  }
0x18a: {  	v31 =	vld [tilespmem:s17+$0x87A0]  }
0x18b: {  	v35 =	vld [tilespmem:s17+$0x730]  }
0x18c: {  	v37 =	vld [tilespmem:s17+$0x8730]  }
0x18d: {  	v8 =	vld [tilespmem:s17+$0x760]  }
0x18e: {  	v24 =	vld [tilespmem:s17+$0x780]  }
0x18f: {  	v25 =	vld [tilespmem:s17+$0x8780]  }
0x190: {  	v32 =	vld [tilespmem:s17+$0x790]  }
0x191: {  	v48 =	vld [tilespmem:s17+$0x8790]  }
0x192: {  	v9 =	vld [tilespmem:s17+$0x6F0]  }
0x193: {  	v22 =	vld [tilespmem:s17+$0x86F0]  }
0x194: {  	v33 =	vld [tilespmem:s17+$0x720]  }
0x195: {  	v34 =	vld [tilespmem:s17+$0x8720]  }
0x196: {  	v10 =	vld [tilespmem:s17+$0x740]  }
0x197: {  	v11 =	vld [tilespmem:s17+$0x8740]  }
0x198: {  	v36 =	vld [tilespmem:s17+$0x750]  }
0x199: {  	v38 =	vld [tilespmem:s17+$0x8750]  }
0x19a: {  	v43 =	vld [tilespmem:s17+$0x6E0]  }
0x19b: {  	v46 =	vld [tilespmem:s17+$0x86E0]  }
0x19c: {  	v53 =	vld [tilespmem:s17+$0x700]  }
0x19d: {  	v54 =	vld [tilespmem:s17+$0x8700]  }
0x19e: {  	v55 =	vld [tilespmem:s17+$0x710]  }
0x19f: {  	v56 =	vld [tilespmem:s17+$0x8710]  }
0x1a0: {  	v39 =	vld [tilespmem:s17+$0x670]  }
0x1a1: {  	v41 =	vld [tilespmem:s17+$0x8670]  }
0x1a2: {  	v40 =	vld [tilespmem:s17+$0x6A0]  }
0x1a3: {  	v57 =	vld [tilespmem:s17+$0x6C0]  }
0x1a4: {  	v58 =	vld [tilespmem:s17+$0x86C0]  }
0x1a5: {  	v59 =	vld [tilespmem:s17+$0x6D0]  }
0x1a6: {  	v60 =	vld [tilespmem:s17+$0x86D0]  }
0x1a7: {  	v42 =	vld [tilespmem:s17+$0x630]  }
0x1a8: {  	v44 =	vld [tilespmem:s17+$0x8630]  }
0x1a9: {  	v52 =	vld [tilespmem:s17+$0x8660]  }
0x1aa: {  	v45 =	vld [tilespmem:s17+$0x680]  }
0x1ab: {  	v47 =	vld [tilespmem:s17+$0x8680]  }
0x1ac: {  	v49 =	vld [tilespmem:s17+$0x690]  }
0x1ad: {  	v50 =	vld [tilespmem:s17+$0x8690]  }
0x1ae: {  	v61 =	vld [tilespmem:s17+$0x640]  }
0x1af: {  	v62 =	vld [tilespmem:s17+$0x8640]  }
0x1b0: {  	v63 =	vld [tilespmem:s17+$0x650]  }
0x1b1: {  	v51 =	vld [tilespmem:s17+$0x5E0]  }
0x1b2: {  	v1 =	vld [tilespmem:s17+$0x600]  }
0x1b3: {  	v2 =	vld [tilespmem:s17+$0x8600]  }
0x1b4: {  	v3 =	vld [tilespmem:s17+$0x610]  }
0x1b5: {  	v23 =	vld [tilespmem:s17+$0x85C0]  }
0x1b6: {  	v12 =	vld [tilespmem:s17+$0x8590]  }
0x1b7: {  	v29 =	vld [tilespmem:s17+$0x4F0]  }
0x1b8: {  	v30 =	vld [tilespmem:s17+$0x84F0]  }
0x1b9: {  	v19 =	vld [tilespmem:s17+$0x520]  }
0x1ba: {  	v13 =	vld [tilespmem:s17+$0x540]  }
0x1bb: {  	v14 =	vld [tilespmem:s17+$0x8540]  }
0x1bc: {  	v15 =	vld [tilespmem:s17+$0x550]  }
0x1bd: {  	v16 =	vld [tilespmem:s17+$0x8550]  }
0x1be: {  	v27 =	vld [tilespmem:s17+$0x4B0]  }
0x1bf: {  	v28 =	vld [tilespmem:s17+$0x84B0]  }
0x1c0: {  	v17 =	vld [tilespmem:s17+$0x4E0]  }
0x1c1: {  	v18 =	vld [tilespmem:s17+$0x84E0]  }
0x1c2: {  	[tilespmem:$0x1FF10] =	vst v36;
	v36 =	vld [tilespmem:s17+$0x660]  }
0x1c3: {  	[tilespmem:$0x1FF60] =	vst v49;
	v49 =	vld [tilespmem:s17+$0x620]  }
0x1c4: {  	[tilespmem:$0x1FF20] =	vst v38;
	v38 =	vld [tilespmem:s17+$0x8620]  }
0x1c5: {  	[tilespmem:$0x1FCB0] =	vst v0;
	v0 =	vld [tilespmem:s17+$0x8650]  }
0x1c6: {  	[tilespmem:$0x1FF30] =	vst v40;
	v40 =	vld [tilespmem:s17+$0x5B0]  }
0x1c7: {  	[tilespmem:$0x1FCD0] =	vst v39;
	v39 =	vld [tilespmem:s17+$0x85B0]  }
0x1c8: {  	[tilespmem:$0x1FEA0] =	vst v4;
	v4 =	vld [tilespmem:s17+$0x8610]  }
0x1c9: {  	[tilespmem:$0x1FCE0] =	vst v42;
	v42 =	vld [tilespmem:s17+$0x570]  }
0x1ca: {  	[tilespmem:$0x1FF40] =	vst v45;
	v45 =	vld [tilespmem:s17+$0x8570]  }
0x1cb: {  	[tilespmem:$0x1FEB0] =	vst v5;
	v5 =	vld [tilespmem:s17+$0x5A0]  }
0x1cc: {  	[tilespmem:$0x1FEC0] =	vst v6;
	v6 =	vld [tilespmem:s17+$0x85A0]  }
0x1cd: {  	[tilespmem:$0x1FF70] =	vst v50;
	v50 =	vld [tilespmem:s17+$0x5C0]  }
0x1ce: {  	[tilespmem:$0x1FF50] =	vst v47;
	v47 =	vld [tilespmem:s17+$0x5D0]  }
0x1cf: {  	[tilespmem:$0x1FCF0] =	vst v44;
	v44 =	vld [tilespmem:s17+$0x85D0]  }
0x1d0: {  	[tilespmem:$0x1FED0] =	vst v7;
	v7 =	vld [tilespmem:s17+$0x560]  }
0x1d1: {  	[tilespmem:$0x1FEE0] =	vst v8;
	v8 =	vld [tilespmem:s17+$0x8560]  }
0x1d2: {  	[tilespmem:$0x1FCC0] =	vst v9;
	v9 =	vld [tilespmem:s17+$0x580]  }
0x1d3: {  	[tilespmem:$0x1FEF0] =	vst v10;
	v10 =	vld [tilespmem:s17+$0x8580]  }
0x1d4: {  	[tilespmem:$0x1FF00] =	vst v11;
	v11 =	vld [tilespmem:s17+$0x590]  }
0x1d5: {  	[tilespmem:$0x1FF80] =	vst v51;
	v51 =	vld [tilespmem:s17+$0x500]  }
0x1d6: {  	v20 =	vmul.f32 v25, v24;
	v24 =	vld [tilespmem:s17+$0x8500]  }
0x1d7: {  	v32 =	vmul.f32 v48, v32;
	v25 =	vld [tilespmem:s17+$0x510]  }
0x1d8: {  	v48 =	vmul.f32 v54, v53;
	v53 =	vmul.f32 v56, v55;
	v56 =	vld [tilespmem:$0x1FCB0]  }
0x1d9: {  	v60 =	vmul.f32 v60, v59;
	v59 =	vld [tilespmem:$0x1FCC0]  }
0x1da: {  	v43 =	vmul.f32 v46, v43;
	v46 =	vld [tilespmem:$0x1FCF0]  }
0x1db: {  	v20 =	vadd.f32 v32, v20;
	v32 =	vmul.f32 v31, v26;
	v26 =	vld [tilespmem:s17+$0x8510]  }
0x1dc: {  	v58 =	vmul.f32 v58, v57;
	v31 =	vld [tilespmem:s17+$0x430]  }
0x1dd: {  	v48 =	vadd.f32 v53, v48;
	v53 =	vmul.f32 v34, v33;
	v33 =	vld [tilespmem:s17+$0x4A0]  }
0x1de: {  	v34 =	vld [tilespmem:s17+$0x84A0];
	v57 =	vadd.f32 v60, v58  }
0x1df: {  	v20 =	vadd.f32 v32, v20;
	v32 =	vld [tilespmem:s17+$0x8430]  }
0x1e0: {  	v35 =	vmul.f32 v37, v35;
	v37 =	vadd.f32 v43, v57;
	v43 =	vld [tilespmem:s17+$0x84D0]  }
0x1e1: {  	v60 =	vmul.f32 v52, v36;
	v36 =	vld [tilespmem:s17+$0x8420];
	v21 =	vmul.f32 v21, v56  }
0x1e2: {  	v58 =	vmul.f32 v62, v61;
	v0 =	vmul.f32 v0, v63;
	v63 =	vld [tilespmem:$0x1FCD0]  }
0x1e3: {  	v61 =	vmul.f32 v4, v3;
	v3 =	vld [tilespmem:s17+$0x8480];
	v20 =	vadd.f32 v21, v20;
	v21 =	vadd.f32 v53, v48  }
0x1e4: {  	v22 =	vmul.f32 v22, v59;
	v59 =	vmul.f32 v39, v40;
	v39 =	vld [tilespmem:s17+$0x410]  }
0x1e5: {  	v40 =	vld [tilespmem:s17+$0x440];
	v21 =	vadd.f32 v35, v21  }
0x1e6: {  	v48 =	vld [tilespmem:s17+$0x4C0];
	v62 =	vadd.f32 v22, v37;
	(xrf2) =	vadd.scan.msk.f32 $0xffff, v20  }
0x1e7: {  	v53 =	vld [tilespmem:s17+$0x4D0];
	(xrf2) =	vadd.scan.msk.f32 $0xffff, v21  }
0x1e8: {  	v0 =	vadd.f32 v0, v58;
	v4 =	vmul.f32 v41, v63;
	v41 =	vld [tilespmem:$0x1FCE0];
	(xrf2) =	vadd.scan.msk.f32 $0xffff, v62  }
0x1e9: {  	v1 =	vmul.f32 v2, v1;
	v9 =	vmul.f32 v10, v9;
	v22 =	vld [tilespmem:s17+$0x480]  }
0x1ea: {  	v37 =	vmul.f32 v38, v49;
	v38 =	vmul.f32 v12, v11;
	v0 =	vadd.f32 v60, v0;
	v20 =	vld [tilespmem:s17+$0x84C0]  }
0x1eb: {  	v57 =	vmul.f32 v16, v15;
	v5 =	vmul.f32 v6, v5;
	v1 =	vadd.f32 v61, v1;
	v11 =	vld [tilespmem:s17+$0x8490]  }
0x1ec: {  	v49 =	vmul.f32 v14, v13;
	v35 =	vld [tilespmem:s17+$0x420];
	v9 =	vadd.f32 v38, v9;
	v0 =	vadd.f32 v4, v0  }
0x1ed: {  	p0 =	sne.s32 s19, $0x1F000;
	v16 =	vmovc v23;
	v60 =	vmul.f32 v8, v7;
	v1 =	vadd.f32 v37, v1;
	v4 =	vld [tilespmem:s17+$0x490];
	v2 =	vmul.f32 v46, v41  }
.Ltmp0:
0x1ee: {  	v37 =	vld [tilespmem:s17+$0x8400];
	v63 =	vmul.f32 v45, v42;
	v58 =	vadd.f32 v5, v9;
	(xrf2) =	vadd.scan.msk.f32 $0xffff, v0;
	v0 =	vadd.f32 v57, v49;
	(pc) =	sbr.rel @p0 .LBB2_2-.Ltmp0, $4  }
0x1ef: {  	v15 =	vmovc v50;
	v38 =	vld [tilespmem:s17+$0x400];
	v62 =	vmul.f32 v43, v53;
	v61 =	vmul.f32 v20, v48;
	v1 =	vadd.f32 v2, v1  }
0x1f0: {  	v42 =	vld [tilespmem:s17+$0x8440];
	v46 =	vmul.f32 v18, v17;
	v0 =	vadd.f32 v60, v0;
	v2 =	vadd.f32 v59, v58;
	v54, _, _ =	vpop (xrf2)  }
0x1f1: {  	v43 =	vld [tilespmem:s17+$0x450];
	v18 =	vmov v44;
	v17 =	vmov v47;
	v47 =	vmul.f32 v3, v22;
	(xrf2) =	vadd.scan.msk.f32 $0xffff, v1;
	v21, _, _ =	vpop (xrf2)  }
0x1f2: {  	s19 =	sadd.s32 $0x1000, s19;
	v41 =	vld [tilespmem:s17+$0x8410];
	v45 =	vadd.f32 v62, v61;
	v48 =	vmul.f32 v11, v4;
	v44 =	vadd.f32 v63, v0;
	(xrf2) =	vadd.scan.msk.f32 $0xffff, v2;
	v22, _, _ =	vpop (xrf2)  }
0x1f3: {  	v0 =	vld [tilespmem:s17+$0x8450]  }
0x1f4: {  	v1 =	vld [tilespmem:s17+$0x460]  }
0x1f5: {  	v4 =	vld [tilespmem:s17+$0x8460]  }
0x1f6: {  	v7 =	vld [tilespmem:s17+$0x470]  }
0x1f7: {  	v6 =	vmul.f32 v34, v33;
	v33 =	vld [tilespmem:s17+$0x8470]  }
0x1f8: {  	v10 =	vld [tilespmem:s17+$0x8520]  }
0x1f9: {  	v12 =	vld [tilespmem:s17+$0x530]  }
0x1fa: {  	v14 =	vld [tilespmem:s17+$0x85E0]  }
0x1fb: {  	v50 =	vld [tilespmem:s17+$0x86A0]  }
0x1fc: {  	v52 =	vld [tilespmem:s17+$0x6B0]  }
0x1fd: {  	v53 =	vld [tilespmem:$0x1FF80]  }
0x1fe: {  	v55 =	vld [tilespmem:s17+$0x86B0]  }
0x1ff: {  	v57 =	vld [tilespmem:$0x1FF40]  }
0x200: {  	v58 =	vld [tilespmem:$0x1FF50]  }
0x201: {  	v59 =	vld [tilespmem:$0x1FF60]  }
0x202: {  	v60 =	vld [tilespmem:$0x1FF70]  }
0x203: {  	v61 =	vld [tilespmem:s17+$0x8760]  }
0x204: {  	v3 =	vmul.f32 v30, v29;
	v11 =	vmul.f32 v28, v27;
	v62 =	vld [tilespmem:s17+$0x770]  }
0x205: {  	v13 =	vmul.f32 v32, v31;
	v49 =	vmul.f32 v18, v17;
	v17 =	vld [tilespmem:$0x1FF30]  }
0x206: {  	v18 =	vld [tilespmem:s17+$0x8770];
	v2 =	vadd.f32 v46, v45;
	v8 =	vmul.f32 v37, v38;
	v9 =	vmul.f32 v41, v39  }
0x207: {  	v20 =	vld [tilespmem:$0x1FEF0];
	v5 =	vadd.f32 v48, v47;
	v34 =	vmul.f32 v42, v40;
	v0 =	vmul.f32 v0, v43  }
0x208: {  	v23 =	vld [tilespmem:$0x1FF00];
	v37 =	vmul.f32 v36, v35;
	v40 =	vmul.f32 v24, v51;
	v8 =	vadd.f32 v9, v8  }
0x209: {  	v38 =	vld [tilespmem:s17+$0x8530];
	v5 =	vadd.f32 v6, v5;
	v1 =	vmul.f32 v4, v1;
	v0 =	vadd.f32 v0, v34  }
0x20a: {  	v31 =	vld [tilespmem:$0x1FEE0];
	v2 =	vadd.f32 v3, v2;
	v41 =	vmul.f32 v26, v25;
	v39 =	vadd.f32 v37, v8  }
0x20b: {  	(xrf2) =	vadd.scan.msk.f32 $0xffff, v44;
	v47 =	vld [tilespmem:s17+$0x85F0];
	v5 =	vadd.f32 v11, v5;
	v42 =	vmul.f32 v33, v7;
	v0 =	vadd.f32 v1, v0  }
0x20c: {  	v43 =	vld [tilespmem:s17+$0x5F0];
	(xrf2) =	vadd.scan.msk.f32 $0xffff, v2;
	v46 =	vmul.f32 v10, v19;
	v45 =	vadd.f32 v41, v40;
	v44 =	vadd.f32 v13, v39  }
0x20d: {  	v48 =	vmul.f32 v16, v15;
	v24 =	vld [tilespmem:$0x1FF10];
	(xrf2) =	vadd.scan.msk.f32 $0xffff, v5;
	v0 =	vadd.f32 v42, v0  }
0x20e: {  	v25 =	vld [tilespmem:$0x1FF20];
	v4 =	vmul.f32 v38, v12;
	v51 =	vadd.f32 v46, v45;
	(xrf2) =	vadd.scan.msk.f32 $0xffff, v44  }
0x20f: {  	v35 =	vld [tilespmem:$0x1FEB0];
	v5 =	vmul.f32 v14, v53;
	v1 =	vadd.f32 v49, v48;
	(xrf2) =	vadd.scan.msk.f32 $0xffff, v0  }
0x210: {  	v2 =	vmul.f32 v58, v57;
	v38 =	vld [tilespmem:$0x1FEC0];
	v56 =	vadd.f32 v4, v51;
	v4 =	vmul.f32 v60, v59  }
0x211: {  	v34 =	vld [tilespmem:$0x1FEA0];
	v3 =	vmul.f32 v47, v43;
	v1 =	vadd.f32 v5, v1  }
0x212: {  	v63, _, _ =	vpop (xrf2);
	v39 =	vld [tilespmem:$0x1FED0];
	v2 =	vadd.f32 v4, v2;
	v4 =	vmul.f32 v50, v17;
	(xrf2) =	vadd.scan.msk.f32 $0xffff, v56  }
0x213: {  	v29 =	vld [tilespmem:s17+$0x87E0];
	v19, _, _ =	vpop (xrf2);
	v11 =	vmul.f32 v25, v24;
	v1 =	vadd.f32 v3, v1;
	v3 =	vmul.f32 v23, v20  }
0x214: {  	v26 =	vld [tilespmem:s17+$0x7E0];
	v28 =	vmul.f32 v55, v52;
	v27, _, _ =	vpop (xrf2);
	v2 =	vadd.f32 v4, v2  }
0x215: {  	v32 =	vld [tilespmem:s17+$0x7F0];
	v10 =	vmul.f32 v61, v31;
	v30, _, _ =	vpop (xrf2);
	v3 =	vadd.f32 v11, v3;
	(xrf2) =	vadd.scan.msk.f32 $0xffff, v1  }
0x216: {  	v36 =	vld [tilespmem:s17+$0x87F0];
	v5 =	vmul.f32 v18, v62;
	v33, _, _ =	vpop (xrf2);
	v2 =	vadd.f32 v28, v2  }
0x217: {  	v4 =	vmul.f32 v35, v34;
	v9 =	vmul.f32 v39, v38;
	v37, _, _ =	vpop (xrf2);
	v3 =	vadd.f32 v10, v3  }
0x218: {  	(xrf2) =	vadd.scan.msk.f32 $0xffff, v2;
	v40, _, _ =	vpop (xrf2)  }
0x219: {  	v43 =	vmul.f32 v29, v26;
	v42 =	vadd.f32 v9, v4;
	v41 =	vadd.f32 v5, v3;
	v44, _, _ =	vpop (xrf2)  }
0x21a: {  	v45 =	vbroadcast v40, $0xF;
	v5 =	vbroadcast v44, $0xF  }
0x21b: {  	v47 =	vmul.f32 v36, v32;
	v46 =	vbroadcast v37, $0xF;
	v3 =	vadd.f32 v43, v42;
	(xrf2) =	vadd.scan.msk.f32 $0xffff, v41  }
0x21c: {  	v1 =	vbroadcast v33, $0xF;
	v49, _, _ =	vpop (xrf2);
	v48 =	vsel vm0, v45, v5  }
0x21d: {  	v3 =	vadd.f32 v47, v3;
	v5 =	vbroadcast v49, $0xF;
	v2 =	vsel vm1, v48, v46  }
0x21e: {  	v50 =	vbroadcast v30, $0xF;
	v1 =	vsel vm2, v2, v1  }
0x21f: {  	v51 =	vbroadcast v27, $0xF;
	(xrf2) =	vadd.scan.msk.f32 $0xffff, v3;
	v52, _, _ =	vpop (xrf2);
	v1 =	vsel vm3, v1, v5  }
0x220: {  	v53 =	vbroadcast v52, $0xF;
	v1 =	vsel vm4, v1, v50  }
0x221: {  	v0 =	vbroadcast v19, $0xF;
	v1 =	vsel vm5, v1, v51  }
0x222: {  	v55 =	vbroadcast v63, $0xF;
	v56, _, _ =	vpop (xrf2);
	v1 =	vsel vm6, v1, v53  }
0x223: {  	v57 =	vbroadcast v56, $0xF;
	v0 =	vsel vm7, v1, v0  }
0x224: {  	v58 =	vbroadcast v22, $0xF;
	v0 =	vsel vm8, v0, v55  }
0x225: {  	v59 =	vbroadcast v21, $0xF;
	v60, _, _ =	vpop (xrf2);
	v0 =	vsel vm9, v0, v57  }
0x226: {  	v61 =	vbroadcast v60, $0xF;
	v0 =	vsel vm10, v0, v58  }
0x227: {  	v62 =	vbroadcast v54, $0xF;
	v0 =	vsel vm11, v0, v59  }
0x228: {  	v0 =	vsel vm12, v0, v61  }
0x229: {  	v63, _, _ =	vpop (xrf2);
	v0 =	vsel vm13, v0, v62  }
0x22a: {  	v0 =	vsel vm14, v0, v63  }
0x22b: {  	v0 =	vmul.f32 $1.442695020e+00, v0;
	_ =	sdelay $0x1  }
0x22c: {  	(erf) = vpow2.f32 v0;
	_ =	sdelay $0x8  }
0x22d: {  	v0 =	vpop (erf)  }
0x22e: {  	v0 =	vadd.f32 $1.000000000e+00, v0;
	_ =	sdelay $0x1  }
0x22f: {  	(erf) = vrcp.f32 v0;
	_ =	sdelay $0x7  }
0x230: {  	s16 =	sadd.s32 $0x1, s16  }
0x231: {  	s31 =	sadd.s32 $0x10, s18;
	p0 =	sne.s32 s16, s8;
	v0 =	vpop (erf)  }
.Ltmp1:
0x232: {  	[tilespmem:s31+$0x0] =	vst v0;
	(pc) =	sbr.rel @p0 .LBB2_1-.Ltmp1, $4  }
0x233: {  	[hbm4b:s7+s2] =	stream.linear.scatter [tilespmem:s15], [sflag:$0x3], $0x200, $0x38;
	[tilespmem:$0x10600] =	vst v63  }
0x234: {  	_ =	swait.ge [sflag:s9], $0x200  }
0x235: {  	[sflag:s9] =	ssyncset.done $0x0  }
0x236: {  	[sflag:s9] =	ssyncadd.s32 $0xFFFFFE00  }
0x237: {  	_ =	sfence.sel $0x180000  }
0x238: {  	[bflag:$0x0] =	sbarrier.arrive $0xFFFF  }
0x239: {  	p0 =	sne.s32 s1, $0x0;
	_ =	strace $0x90000047  }
0x23a: {  	s0 =	sadd.s32 @!p0 $0x100000, s0;
	[bflag:$0x2] =	sbarrier.arrive $0xFFFF  }
0x23b: {  	[sflag:s0] =	ssyncadd.tile.s32 @!p0 $0x1;
	_ =	shalt  }
.Lfunc_end2:
_tile_overlayer_lowered:
.L_overlay_start_2:
0x23c: {  	(tag) =	ssettag $0x2  }
0x23d: {  	s0 =	rddreg [dreg:$0x0];
	s2 =	stileid.u32  }
0x23e: {  	s1 =	rddreg [dreg:$0x1];
	p0 =	sne.s32 s2, $0x0  }
0x23f: {  	s3 =	rddreg [dreg:$0x2];
	[bflag:$0x3] =	sbarrier.arrive $0xFFFF;
	s2 =	simm.s32 @!p0 $0x1C03  }
0x240: {  	[timem:s3], [sflag:s2] =	dma.local @!p0 [hbm:s0], s1  }
0x241: {  	s0 =	simm.s32 @!p0 $0x3  }
0x242: {  	_ =	swait.ge @!p0 [sflag:s0], s1  }
0x243: {  	s1 =	ssub.s32 @!p0 $0x0, s1;
	[sflag:s0] =	ssyncset.done @!p0 $0x0  }
0x244: {  	[sflag:s0] =	ssyncadd.s32 @!p0 s1  }
0x245: {  	[bflag:$0x3] =	sbarrier.arrive $0xFFFF  }
0x246: {  	_ =	shalt  }

</sc_bundles>
